<compile_context>
chip_gen: v7x
topology: tpu7x:2x2x1
jax: 0.10.2.dev20260603
libtpu: 0.0.44.dev20260713+nightly
codegen_flags: <defaults>
</compile_context>

<pallas_src>
import functools

import jax
import jax.numpy as jnp
from jax import lax
from jax.experimental import pallas as pl
from jax.experimental.pallas import tpu as pltpu
from jax.experimental.pallas import tpu_sc as plsc

NC = 2
NS = 16
NW = NC * NS
LK = 128
DW = 128

@functools.lru_cache(maxsize=None)
def _mesh():
    return plsc.VectorSubcoreMesh(core_axis_name="c", subcore_axis_name="s",
                                  num_cores=NC, num_subcores=NS)



def _deg_body(N, NR, CH, dst_hbm, zeros_hbm, ones_hbm, out_hbm,
              idx_v, ones_v, acc_sh, sem):
    c = lax.axis_index("c")
    s = lax.axis_index("s")
    w = c * NS + s
    zr = NR // NS
    pltpu.sync_copy(zeros_hbm.at[pl.ds(s * zr, zr), :],
                    acc_sh.at[pl.ds(s * zr, zr), :])
    pltpu.sync_copy(ones_hbm, ones_v)
    pltpu.sync_copy(dst_hbm.at[w], idx_v)
    plsc.subcore_barrier()

    K = 8
    for k in range(K):
        pltpu.async_copy(ones_v, acc_sh.at[idx_v.at[k]], sem, add=True)

    def body(j, carry):
        pltpu.make_async_copy(ones_v, acc_sh.at[idx_v.at[j]], sem).wait()

        @pl.when(j + K < CH)
        def _():
            pltpu.async_copy(ones_v, acc_sh.at[idx_v.at[j + K]], sem,
                             add=True)
        return carry

    lax.fori_loop(0, CH, body, 0)
    plsc.subcore_barrier()
    pltpu.sync_copy(acc_sh.at[pl.ds(s * zr, zr), :],
                    out_hbm.at[c].at[pl.ds(s * zr, zr), :])


def _scat_body(N, D, NR, CH, NB, h_hbm, src_hbm, dst_hbm, zeros_hbm, out_hbm,
               src_v, dst_v, rows_v, acc_sh, *sems):
    c = lax.axis_index("c")
    s = lax.axis_index("s")
    w = c * NS + s
    zr = NR // NS

    CHH = CH // 2
    for half in range(2):
        pltpu.sync_copy(src_hbm.at[w, pl.ds(half * CHH, CHH)], src_v)
        pltpu.sync_copy(dst_hbm.at[w, pl.ds(half * CHH, CHH)], dst_v)

        for b in range(NB):
            pltpu.async_copy(h_hbm.at[src_v.at[b]], rows_v.at[b], sems[b])

        if half == 0:
            pltpu.sync_copy(zeros_hbm.at[pl.ds(s * zr, zr), :],
                            acc_sh.at[pl.ds(s * zr, zr), :])
            plsc.subcore_barrier()

        def body(g, carry):
            for b in range(NB):
                j = g * NB + b
                pltpu.make_async_copy(h_hbm.at[src_v.at[j]], rows_v.at[b],
                                      sems[b]).wait()
                pltpu.sync_copy(rows_v.at[b], acc_sh.at[dst_v.at[j]],
                                add=True)

                @pl.when(j + NB < CHH)
                def _():
                    pltpu.async_copy(h_hbm.at[src_v.at[j + NB]],
                                     rows_v.at[b], sems[b])
            return carry

        lax.fori_loop(0, CHH // NB, body, 0)
    plsc.subcore_barrier()
    pltpu.sync_copy(acc_sh.at[pl.ds(s * zr, zr), :],
                    out_hbm.at[c].at[pl.ds(s * zr, zr), :])


@functools.lru_cache(maxsize=None)
def _make_deg(N, NR, CH):
    return pl.kernel(
        functools.partial(_deg_body, N, NR, CH),
        out_type=jax.ShapeDtypeStruct((NC, NR, DW), jnp.float32),
        mesh=_mesh(),
        scratch_types=[
            pltpu.VMEM((CH, LK), jnp.int32),
            pltpu.VMEM((LK, DW), jnp.float32),
            pltpu.VMEM_SHARED((NR, DW), jnp.float32),
            pltpu.SemaphoreType.DMA,
        ],
    )


@functools.lru_cache(maxsize=None)
def _make_scat(N, D, NR, CH, NB=2):
    return pl.kernel(
        functools.partial(_scat_body, N, D, NR, CH, NB),
        out_type=jax.ShapeDtypeStruct((NC, NR, D), jnp.float32),
        mesh=_mesh(),
        scratch_types=[
            pltpu.VMEM((CH // 2, LK), jnp.int32),
            pltpu.VMEM((CH // 2, LK), jnp.int32),
            pltpu.VMEM((NB, LK, D), jnp.float32),
            pltpu.VMEM_SHARED((NR, D), jnp.float32),
        ] + [pltpu.SemaphoreType.DMA] * NB,
    )



def _dotT(a, w):
    return lax.dot_general(a, w, (((1,), (1,)), ((), ())),
                           preferred_element_type=jnp.float32,
                           precision=lax.Precision.DEFAULT)


def _mm_body(x_ref, w_ref, o_ref):
    o_ref[...] = _dotT(x_ref[...], w_ref[...])


def _scale_body(m_ref, deg_ref, o_ref):
    o_ref[...] = m_ref[...] * lax.rsqrt(deg_ref[...])


def _combine_mm_body(pa_ref, pb_ref, h_ref, deg_ref, b_ref, w_ref, o_ref):
    dinv = lax.rsqrt(deg_ref[...])
    h = (pa_ref[0] + pb_ref[0] + h_ref[...]) * dinv + b_ref[...]
    h = jnp.maximum(h, 0.0)
    o_ref[...] = _dotT(h, w_ref[...]) * dinv


def _decode_body(pa_ref, pb_ref, h_ref, deg_ref, b2_ref,
                 wd1_ref, bd1_ref, wd2_ref, bd2_ref, o_ref):
    dinv = lax.rsqrt(deg_ref[...])
    z = (pa_ref[0] + pb_ref[0] + h_ref[...]) * dinv + b2_ref[...]
    d = jnp.maximum(_dotT(z, wd1_ref[...]) + bd1_ref[...], 0.0)
    o_ref[...] = _dotT(d, wd2_ref[...]) + bd2_ref[...]


def _row_specs(R, ncols, n):
    return [pl.BlockSpec((R, ncols), lambda i: (i, 0)) for _ in range(n)]


def _part_specs(R, ncols):
    return [pl.BlockSpec((1, R, ncols), lambda i, c=c: (c, i, 0))
            for c in range(NC)]


def _full_spec(shape):
    return pl.BlockSpec(shape, lambda i: tuple(0 for _ in shape))


def _tc_call(body, N, R, in_specs, out_cols, *args):
    return pl.pallas_call(
        body,
        grid=(N // R,),
        in_specs=in_specs,
        out_specs=pl.BlockSpec((R, out_cols), lambda i: (i, 0)),
        out_shape=jax.ShapeDtypeStruct((N, out_cols), jnp.float32),
    )(*args)



def kernel(x, edge_index, W1, b1, W2, b2, Wd1, bd1, Wd2, bd2):
    N, Din = x.shape
    E = edge_index.shape[1]
    H = W1.shape[0]
    O = Wd2.shape[0]

    CH = -(-(-(-E // (NW * LK))) // 16) * 16
    EP = NW * CH * LK
    NR = -(-(N + 1) // 128) * 128

    src = edge_index[0]
    dst = edge_index[1]
    if EP > E:
        pad = jnp.arange(EP - E, dtype=edge_index.dtype)
        src = jnp.concatenate([src, pad % N])
        dst = jnp.concatenate([dst, N + pad % (NR - N)])
    src3 = src.reshape(NW, CH, LK).astype(jnp.int32)
    dst3 = dst.reshape(NW, CH, LK).astype(jnp.int32)

    ones_deg = jnp.ones((LK, DW), jnp.float32)
    zeros_acc = jnp.zeros((NR, H), jnp.float32)

    R = 2000

    degp = _make_deg(N, NR, CH)(dst3, zeros_acc, ones_deg)
    m1 = _tc_call(_mm_body, N, R,
                  _row_specs(R, Din, 1) + [_full_spec(W1.shape)], H, x, W1)
    degsum = degp[0, :N, 0:1] + degp[1, :N, 0:1] + 1.0
    b1r = b1.reshape(1, H)
    b2r = b2.reshape(1, W2.shape[0])
    bd1r = bd1.reshape(1, Wd1.shape[0])
    bd2r = bd2.reshape(1, O)

    h1p = _tc_call(_scale_body, N, R,
                   _row_specs(R, H, 1) + _row_specs(R, 1, 1), H, m1, degsum)

    p1 = _make_scat(N, H, NR, CH)(h1p, src3, dst3, zeros_acc)

    h2p = _tc_call(
        _combine_mm_body, N, R,
        _part_specs(R, H) + _row_specs(R, H, 1) + _row_specs(R, 1, 1)
        + [_full_spec((1, H)), _full_spec(W2.shape)],
        W2.shape[0], p1, p1, h1p, degsum, b1r, W2)

    p2 = _make_scat(N, W2.shape[0], NR, CH)(h2p, src3, dst3, zeros_acc)

    x_rec = _tc_call(
        _decode_body, N, R,
        _part_specs(R, W2.shape[0]) + _row_specs(R, W2.shape[0], 1)
        + _row_specs(R, 1, 1)
        + [_full_spec((1, W2.shape[0])), _full_spec(Wd1.shape),
           _full_spec((1, Wd1.shape[0])), _full_spec(Wd2.shape),
           _full_spec((1, O))],
        O, p2, p2, h2p, degsum, b2r, Wd1, bd1r, Wd2, bd2r)

    return x_rec

# --- scband reference (transcript-rebuilt; emitter-appended) ---
"""Pipeline reference for scband-auto-encoder-11982958756637 (READ-ONLY COPY).

The authoritative reference and input builder live on the scoring server;
editing this copy changes nothing except your own understanding.
"""

import jax, jax.numpy as jnp
import numpy as np


def gcn_conv(x, edge_index, W, b):
    # PyG GCNConv: add self-loops, symmetric normalization, linear (W is [out,in]), bias
    N = x.shape[0]
    loop = jnp.arange(N, dtype=edge_index.dtype)
    src = jnp.concatenate([edge_index[0], loop])
    dst = jnp.concatenate([edge_index[1], loop])
    h = x @ W.T
    ones = jnp.ones(src.shape[0], dtype=x.dtype)
    deg = jax.ops.segment_sum(ones, dst, num_segments=N)
    dinv = jnp.where(deg > 0, jax.lax.rsqrt(deg), 0.0)
    norm = dinv[src] * dinv[dst]
    msg = h[src] * norm[:, None]
    out = jax.ops.segment_sum(msg, dst, num_segments=N)
    return out + b


def setup_inputs(seed: int = 0) -> dict:
    key = jax.random.key(seed)
    ks = jax.random.split(key, 12)
    N, E, D, H, L, O = 10000, 320000, 128, 128, 128, 128
    x = jax.random.normal(ks[0], (N, D), dtype=jnp.float32)
    edge_index = jax.random.randint(ks[1], (2, E), 0, N, dtype=jnp.int32)

    def lin(k, fan_out, fan_in):
        s = 1.0 / np.sqrt(fan_in)
        kw, kb = jax.random.split(k)
        W = jax.random.uniform(kw, (fan_out, fan_in), minval=-s, maxval=s, dtype=jnp.float32)
        b = jax.random.uniform(kb, (fan_out,), minval=-s, maxval=s, dtype=jnp.float32)
        return W, b

    W1, b1 = lin(ks[2], H, D)
    W2, b2 = lin(ks[3], L, H)
    Wd1, bd1 = lin(ks[4], 128, L)
    Wd2, bd2 = lin(ks[5], O, 128)
    return {"x": x, "edge_index": edge_index, "W1": W1, "b1": b1, "W2": W2, "b2": b2,
            "Wd1": Wd1, "bd1": bd1, "Wd2": Wd2, "bd2": bd2}


def reference(x, edge_index, W1, b1, W2, b2, Wd1, bd1, Wd2, bd2):
    # GCNEncoder
    h = gcn_conv(x, edge_index, W1, b1)
    h = jax.nn.relu(h)
    z = gcn_conv(h, edge_index, W2, b2)
    # MLPDecoder: Linear -> ReLU -> Linear
    d = jax.nn.relu(z @ Wd1.T + bd1)
    x_rec = d @ Wd2.T + bd2
    return x_rec

if __name__ == "__main__":
    import jax
    _d = setup_inputs()
    print(jax.jit(kernel)(*tuple(_d.values())))

</pallas_src>

<mosaic_0001>
#map = affine_map<(d0, d1) -> (0, 0)>
#map1 = affine_map<(d0, d1) -> (0, 0, 0)>
module attributes {stable_mosaic.version = 14 : i64} {
  func.func @_scat_body(%arg0: i32, %arg1: i32, %arg2: memref<10000x128xf32, #tpu.memory_space<hbm>>, %arg3: memref<32x80x128xi32, #tpu.memory_space<hbm>>, %arg4: memref<32x80x128xi32, #tpu.memory_space<hbm>>, %arg5: memref<10112x128xf32, #tpu.memory_space<hbm>>, %arg6: memref<2x10112x128xf32, #tpu.memory_space<hbm>>, %arg7: memref<40x128xi32, #tpu.memory_space<vmem>>, %arg8: memref<40x128xi32, #tpu.memory_space<vmem>>, %arg9: memref<2x128x128xf32, #tpu.memory_space<vmem>>, %arg10: memref<10112x128xf32, #tpu.memory_space<vmem_shared>>, %arg11: memref<!tpu.dma_semaphore, #tpu.memory_space<semaphore_mem>>, %arg12: memref<!tpu.dma_semaphore, #tpu.memory_space<semaphore_mem>>) attributes {dimension_semantics = [#tpu.dimension_semantics<core_parallel>, #tpu.dimension_semantics<subcore_parallel>], iteration_bounds = array<i64: 2, 16>, scalar_prefetch = 0 : i64, scratch_operands = 6 : i64, tpu.core_type = #tpu.core_type<sc_vector_subcore>, window_params = [{transform_indices = #map}, {transform_indices = #map1}, {transform_indices = #map1}, {transform_indices = #map}, {transform_indices = #map1}]} {
    %mul3A = arith.constant 16 : i32
    %mul3A_0 = arith.muli %arg0, %mul3A : i32
    %add3A = arith.addi %mul3A_0, %arg1 : i32
    "tpu.region"() ({
      %run_scoped3A = tpu.sem_alloc : memref<!tpu.dma_semaphore, #tpu.memory_space<semaphore_mem>>
      %dma_start3A_68 = arith.constant 0 : i32
      %dma_start3A_69 = arith.constant 0 : i32
      %dma_start3A_70 = tpu.memref_slice %arg3[%add3A, %dma_start3A_68, %dma_start3A_69] : memref<32x80x128xi32, #tpu.memory_space<hbm>> -> memref<1x40x128xi32, #tpu.memory_space<hbm>>
      %dma_start3A_71 = tpu.memref_squeeze %dma_start3A_70 : memref<1x40x128xi32, #tpu.memory_space<hbm>> -> memref<40x128xi32, #tpu.memory_space<hbm>>
      %dma_start3A_72 = arith.constant 0 : i32
      %dma_start3A_73 = arith.constant 0 : i32
      %dma_start3A_74 = tpu.memref_slice %arg3[%add3A, %dma_start3A_72, %dma_start3A_73] : memref<32x80x128xi32, #tpu.memory_space<hbm>> -> memref<1x40x128xi32, #tpu.memory_space<hbm>>
      %dma_start3A_75 = tpu.memref_squeeze %dma_start3A_74 : memref<1x40x128xi32, #tpu.memory_space<hbm>> -> memref<40x128xi32, #tpu.memory_space<hbm>>
      tpu.enqueue_dma source(%dma_start3A_75 : memref<40x128xi32, #tpu.memory_space<hbm>>) target(%arg7 : memref<40x128xi32, #tpu.memory_space<vmem>>) target_semaphore(%run_scoped3A : memref<!tpu.dma_semaphore, #tpu.memory_space<semaphore_mem>>)
      %dma_wait3A = arith.constant 0 : i32
      %dma_wait3A_76 = arith.constant 0 : i32
      %dma_wait3A_77 = tpu.memref_slice %arg3[%add3A, %dma_wait3A, %dma_wait3A_76] : memref<32x80x128xi32, #tpu.memory_space<hbm>> -> memref<1x40x128xi32, #tpu.memory_space<hbm>>
      %dma_wait3A_78 = tpu.memref_squeeze %dma_wait3A_77 : memref<1x40x128xi32, #tpu.memory_space<hbm>> -> memref<40x128xi32, #tpu.memory_space<hbm>>
      %dma_wait3A_79 = arith.constant 0 : i32
      %dma_wait3A_80 = arith.constant 0 : i32
      %dma_wait3A_81 = tpu.memref_slice %arg3[%add3A, %dma_wait3A_79, %dma_wait3A_80] : memref<32x80x128xi32, #tpu.memory_space<hbm>> -> memref<1x40x128xi32, #tpu.memory_space<hbm>>
      %dma_wait3A_82 = tpu.memref_squeeze %dma_wait3A_81 : memref<1x40x128xi32, #tpu.memory_space<hbm>> -> memref<40x128xi32, #tpu.memory_space<hbm>>
      tpu.wait_dma2 semaphore(%run_scoped3A : memref<!tpu.dma_semaphore, #tpu.memory_space<semaphore_mem>>) src(%dma_wait3A_82 : memref<40x128xi32, #tpu.memory_space<hbm>>) dst(%arg7 : memref<40x128xi32, #tpu.memory_space<vmem>>)
      tpu.yield
    }) : () -> ()
    "tpu.region"() ({
      %run_scoped3A = tpu.sem_alloc : memref<!tpu.dma_semaphore, #tpu.memory_space<semaphore_mem>>
      %dma_start3A_68 = arith.constant 0 : i32
      %dma_start3A_69 = arith.constant 0 : i32
      %dma_start3A_70 = tpu.memref_slice %arg4[%add3A, %dma_start3A_68, %dma_start3A_69] : memref<32x80x128xi32, #tpu.memory_space<hbm>> -> memref<1x40x128xi32, #tpu.memory_space<hbm>>
      %dma_start3A_71 = tpu.memref_squeeze %dma_start3A_70 : memref<1x40x128xi32, #tpu.memory_space<hbm>> -> memref<40x128xi32, #tpu.memory_space<hbm>>
      %dma_start3A_72 = arith.constant 0 : i32
      %dma_start3A_73 = arith.constant 0 : i32
      %dma_start3A_74 = tpu.memref_slice %arg4[%add3A, %dma_start3A_72, %dma_start3A_73] : memref<32x80x128xi32, #tpu.memory_space<hbm>> -> memref<1x40x128xi32, #tpu.memory_space<hbm>>
      %dma_start3A_75 = tpu.memref_squeeze %dma_start3A_74 : memref<1x40x128xi32, #tpu.memory_space<hbm>> -> memref<40x128xi32, #tpu.memory_space<hbm>>
      tpu.enqueue_dma source(%dma_start3A_75 : memref<40x128xi32, #tpu.memory_space<hbm>>) target(%arg8 : memref<40x128xi32, #tpu.memory_space<vmem>>) target_semaphore(%run_scoped3A : memref<!tpu.dma_semaphore, #tpu.memory_space<semaphore_mem>>)
      %dma_wait3A = arith.constant 0 : i32
      %dma_wait3A_76 = arith.constant 0 : i32
      %dma_wait3A_77 = tpu.memref_slice %arg4[%add3A, %dma_wait3A, %dma_wait3A_76] : memref<32x80x128xi32, #tpu.memory_space<hbm>> -> memref<1x40x128xi32, #tpu.memory_space<hbm>>
      %dma_wait3A_78 = tpu.memref_squeeze %dma_wait3A_77 : memref<1x40x128xi32, #tpu.memory_space<hbm>> -> memref<40x128xi32, #tpu.memory_space<hbm>>
      %dma_wait3A_79 = arith.constant 0 : i32
      %dma_wait3A_80 = arith.constant 0 : i32
      %dma_wait3A_81 = tpu.memref_slice %arg4[%add3A, %dma_wait3A_79, %dma_wait3A_80] : memref<32x80x128xi32, #tpu.memory_space<hbm>> -> memref<1x40x128xi32, #tpu.memory_space<hbm>>
      %dma_wait3A_82 = tpu.memref_squeeze %dma_wait3A_81 : memref<1x40x128xi32, #tpu.memory_space<hbm>> -> memref<40x128xi32, #tpu.memory_space<hbm>>
      tpu.wait_dma2 semaphore(%run_scoped3A : memref<!tpu.dma_semaphore, #tpu.memory_space<semaphore_mem>>) src(%dma_wait3A_82 : memref<40x128xi32, #tpu.memory_space<hbm>>) dst(%arg8 : memref<40x128xi32, #tpu.memory_space<vmem>>)
      tpu.yield
    }) : () -> ()
    %dma_start3A = arith.constant 0 : i32
    %dma_start3A_1 = arith.constant 0 : i32
    %dma_start3A_2 = arith.constant 0 : i32
    %dma_start3A_3 = arith.constant 0 : i32
    %dma_start3A_4 = tpu.memref_slice %arg9[%dma_start3A_1, %dma_start3A_2, %dma_start3A_3] : memref<2x128x128xf32, #tpu.memory_space<vmem>> -> memref<1x128x128xf32, #tpu.memory_space<vmem>>
    %dma_start3A_5 = tpu.memref_squeeze %dma_start3A_4 : memref<1x128x128xf32, #tpu.memory_space<vmem>> -> memref<128x128xf32, #tpu.memory_space<vmem>>
    %dma_start3A_6 = arith.constant 0 : i32
    %dma_start3A_7 = tpu.memref_slice %arg7[%dma_start3A, %dma_start3A_6] : memref<40x128xi32, #tpu.memory_space<vmem>> -> memref<1x128xi32, #tpu.memory_space<vmem>>
    %dma_start3A_8 = tpu.memref_squeeze %dma_start3A_7 : memref<1x128xi32, #tpu.memory_space<vmem>> -> memref<128xi32, #tpu.memory_space<vmem>>
    %dma_start3A_9 = arith.constant 0 : i32
    %dma_start3A_10 = arith.constant 0 : i32
    %dma_start3A_11 = tpu.memref_slice %arg2[%dma_start3A_9, %dma_start3A_10] : memref<10000x128xf32, #tpu.memory_space<hbm>> -> memref<10000x128xf32, #tpu.memory_space<hbm>>
    tpu.enqueue_indirect_dma source(%dma_start3A_11 : memref<10000x128xf32, #tpu.memory_space<hbm>>) target(%dma_start3A_5 : memref<128x128xf32, #tpu.memory_space<vmem>>) offsets(%dma_start3A_8 : memref<128xi32, #tpu.memory_space<vmem>>) semaphore(%arg11 : memref<!tpu.dma_semaphore, #tpu.memory_space<semaphore_mem>>)
    %dma_start3A_12 = arith.constant 1 : i32
    %dma_start3A_13 = arith.constant 1 : i32
    %dma_start3A_14 = arith.constant 0 : i32
    %dma_start3A_15 = arith.constant 0 : i32
    %dma_start3A_16 = tpu.memref_slice %arg9[%dma_start3A_13, %dma_start3A_14, %dma_start3A_15] : memref<2x128x128xf32, #tpu.memory_space<vmem>> -> memref<1x128x128xf32, #tpu.memory_space<vmem>>
    %dma_start3A_17 = tpu.memref_squeeze %dma_start3A_16 : memref<1x128x128xf32, #tpu.memory_space<vmem>> -> memref<128x128xf32, #tpu.memory_space<vmem>>
    %dma_start3A_18 = arith.constant 0 : i32
    %dma_start3A_19 = tpu.memref_slice %arg7[%dma_start3A_12, %dma_start3A_18] : memref<40x128xi32, #tpu.memory_space<vmem>> -> memref<1x128xi32, #tpu.memory_space<vmem>>
    %dma_start3A_20 = tpu.memref_squeeze %dma_start3A_19 : memref<1x128xi32, #tpu.memory_space<vmem>> -> memref<128xi32, #tpu.memory_space<vmem>>
    %dma_start3A_21 = arith.constant 0 : i32
    %dma_start3A_22 = arith.constant 0 : i32
    %dma_start3A_23 = tpu.memref_slice %arg2[%dma_start3A_21, %dma_start3A_22] : memref<10000x128xf32, #tpu.memory_space<hbm>> -> memref<10000x128xf32, #tpu.memory_space<hbm>>
    tpu.enqueue_indirect_dma source(%dma_start3A_23 : memref<10000x128xf32, #tpu.memory_space<hbm>>) target(%dma_start3A_17 : memref<128x128xf32, #tpu.memory_space<vmem>>) offsets(%dma_start3A_20 : memref<128xi32, #tpu.memory_space<vmem>>) semaphore(%arg12 : memref<!tpu.dma_semaphore, #tpu.memory_space<semaphore_mem>>)
    %mul3A_24 = arith.constant 632 : i32
    %mul3A_25 = arith.muli %arg1, %mul3A_24 : i32
    %mul3A_26 = arith.constant 632 : i32
    %mul3A_27 = arith.muli %arg1, %mul3A_26 : i32
    "tpu.region"() ({
      %run_scoped3A = tpu.sem_alloc : memref<!tpu.dma_semaphore, #tpu.memory_space<semaphore_mem>>
      %dma_start3A_68 = arith.constant 0 : i32
      %dma_start3A_69 = tpu.memref_slice %arg10[%mul3A_27, %dma_start3A_68] : memref<10112x128xf32, #tpu.memory_space<vmem_shared>> -> memref<632x128xf32, #tpu.memory_space<vmem_shared>>
      %dma_start3A_70 = arith.constant 0 : i32
      %dma_start3A_71 = tpu.memref_slice %arg5[%mul3A_25, %dma_start3A_70] : memref<10112x128xf32, #tpu.memory_space<hbm>> -> memref<632x128xf32, #tpu.memory_space<hbm>>
      tpu.enqueue_dma source(%dma_start3A_71 : memref<632x128xf32, #tpu.memory_space<hbm>>) target(%dma_start3A_69 : memref<632x128xf32, #tpu.memory_space<vmem_shared>>) target_semaphore(%run_scoped3A : memref<!tpu.dma_semaphore, #tpu.memory_space<semaphore_mem>>)
      %dma_wait3A = arith.constant 0 : i32
      %dma_wait3A_72 = tpu.memref_slice %arg10[%mul3A_27, %dma_wait3A] : memref<10112x128xf32, #tpu.memory_space<vmem_shared>> -> memref<632x128xf32, #tpu.memory_space<vmem_shared>>
      %dma_wait3A_73 = arith.constant 0 : i32
      %dma_wait3A_74 = tpu.memref_slice %arg5[%mul3A_25, %dma_wait3A_73] : memref<10112x128xf32, #tpu.memory_space<hbm>> -> memref<632x128xf32, #tpu.memory_space<hbm>>
      tpu.wait_dma2 semaphore(%run_scoped3A : memref<!tpu.dma_semaphore, #tpu.memory_space<semaphore_mem>>) src(%dma_wait3A_74 : memref<632x128xf32, #tpu.memory_space<hbm>>) dst(%dma_wait3A_72 : memref<632x128xf32, #tpu.memory_space<vmem_shared>>)
      tpu.yield
    }) : () -> ()
    %barrier3A = arith.constant 0 : index
    tpu.barrier barrier_id(%barrier3A)
    %scan3A = arith.constant 0 : i32
    %scan3A_28 = arith.constant 0 : i32
    %scan3A_29 = arith.constant 20 : i32
    %scan3A_30 = arith.addi %scan3A_28, %scan3A_29 : i32
    %scan3A_31 = arith.constant 1 : i32
    scf.for %scan3A_68 = %scan3A_28 to %scan3A_30 step %scan3A_31  : i32 {
      %mul3A_69 = arith.constant 2 : i32
      %mul3A_70 = arith.muli %scan3A_68, %mul3A_69 : i32
      %add3A_71 = arith.constant 0 : i32
      %add3A_72 = arith.addi %mul3A_70, %add3A_71 : i32
      %dma_wait3A = arith.constant 0 : i32
      %dma_wait3A_73 = arith.constant 0 : i32
      %dma_wait3A_74 = arith.constant 0 : i32
      %dma_wait3A_75 = tpu.memref_slice %arg9[%dma_wait3A, %dma_wait3A_73, %dma_wait3A_74] : memref<2x128x128xf32, #tpu.memory_space<vmem>> -> memref<1x128x128xf32, #tpu.memory_space<vmem>>
      %dma_wait3A_76 = tpu.memref_squeeze %dma_wait3A_75 : memref<1x128x128xf32, #tpu.memory_space<vmem>> -> memref<128x128xf32, #tpu.memory_space<vmem>>
      %dma_wait3A_77 = arith.constant 0 : i32
      %dma_wait3A_78 = tpu.memref_slice %arg7[%add3A_72, %dma_wait3A_77] : memref<40x128xi32, #tpu.memory_space<vmem>> -> memref<1x128xi32, #tpu.memory_space<vmem>>
      %dma_wait3A_79 = tpu.memref_squeeze %dma_wait3A_78 : memref<1x128xi32, #tpu.memory_space<vmem>> -> memref<128xi32, #tpu.memory_space<vmem>>
      %dma_wait3A_80 = arith.constant 0 : i32
      %dma_wait3A_81 = arith.constant 0 : i32
      %dma_wait3A_82 = tpu.memref_slice %arg2[%dma_wait3A_80, %dma_wait3A_81] : memref<10000x128xf32, #tpu.memory_space<hbm>> -> memref<10000x128xf32, #tpu.memory_space<hbm>>
      tpu.wait_indirect_dma semaphore(%arg11 : memref<!tpu.dma_semaphore, #tpu.memory_space<semaphore_mem>>) src(%dma_wait3A_82 : memref<10000x128xf32, #tpu.memory_space<hbm>>) dst(%dma_wait3A_76 : memref<128x128xf32, #tpu.memory_space<vmem>>)
      %run_scoped3A = arith.constant 0 : i32
      "tpu.region"() ({
        %run_scoped3A_110 = tpu.sem_alloc : memref<!tpu.dma_semaphore, #tpu.memory_space<semaphore_mem>>
        %dma_start3A_111 = arith.constant 0 : i32
        %dma_start3A_112 = arith.constant 0 : i32
        %dma_start3A_113 = tpu.memref_slice %arg9[%run_scoped3A, %dma_start3A_111, %dma_start3A_112] : memref<2x128x128xf32, #tpu.memory_space<vmem>> -> memref<1x128x128xf32, #tpu.memory_space<vmem>>
        %dma_start3A_114 = tpu.memref_squeeze %dma_start3A_113 : memref<1x128x128xf32, #tpu.memory_space<vmem>> -> memref<128x128xf32, #tpu.memory_space<vmem>>
        %dma_start3A_115 = arith.constant 0 : i32
        %dma_start3A_116 = tpu.memref_slice %arg8[%add3A_72, %dma_start3A_115] : memref<40x128xi32, #tpu.memory_space<vmem>> -> memref<1x128xi32, #tpu.memory_space<vmem>>
        %dma_start3A_117 = tpu.memref_squeeze %dma_start3A_116 : memref<1x128xi32, #tpu.memory_space<vmem>> -> memref<128xi32, #tpu.memory_space<vmem>>
        %dma_start3A_118 = arith.constant 0 : i32
        %dma_start3A_119 = arith.constant 0 : i32
        %dma_start3A_120 = tpu.memref_slice %arg10[%dma_start3A_118, %dma_start3A_119] : memref<10112x128xf32, #tpu.memory_space<vmem_shared>> -> memref<10112x128xf32, #tpu.memory_space<vmem_shared>>
        tpu.enqueue_indirect_dma source(%dma_start3A_114 : memref<128x128xf32, #tpu.memory_space<vmem>>) target(%dma_start3A_120 : memref<10112x128xf32, #tpu.memory_space<vmem_shared>>) offsets(%dma_start3A_117 : memref<128xi32, #tpu.memory_space<vmem>>) semaphore(%run_scoped3A_110 : memref<!tpu.dma_semaphore, #tpu.memory_space<semaphore_mem>>) {add = true}
        %dma_wait3A_121 = arith.constant 0 : i32
        %dma_wait3A_122 = arith.constant 0 : i32
        %dma_wait3A_123 = tpu.memref_slice %arg9[%run_scoped3A, %dma_wait3A_121, %dma_wait3A_122] : memref<2x128x128xf32, #tpu.memory_space<vmem>> -> memref<1x128x128xf32, #tpu.memory_space<vmem>>
        %dma_wait3A_124 = tpu.memref_squeeze %dma_wait3A_123 : memref<1x128x128xf32, #tpu.memory_space<vmem>> -> memref<128x128xf32, #tpu.memory_space<vmem>>
        %dma_wait3A_125 = arith.constant 0 : i32
        %dma_wait3A_126 = tpu.memref_slice %arg8[%add3A_72, %dma_wait3A_125] : memref<40x128xi32, #tpu.memory_space<vmem>> -> memref<1x128xi32, #tpu.memory_space<vmem>>
        %dma_wait3A_127 = tpu.memref_squeeze %dma_wait3A_126 : memref<1x128xi32, #tpu.memory_space<vmem>> -> memref<128xi32, #tpu.memory_space<vmem>>
        %dma_wait3A_128 = arith.constant 0 : i32
        %dma_wait3A_129 = arith.constant 0 : i32
        %dma_wait3A_130 = tpu.memref_slice %arg10[%dma_wait3A_128, %dma_wait3A_129] : memref<10112x128xf32, #tpu.memory_space<vmem_shared>> -> memref<10112x128xf32, #tpu.memory_space<vmem_shared>>
        tpu.wait_indirect_dma semaphore(%run_scoped3A_110 : memref<!tpu.dma_semaphore, #tpu.memory_space<semaphore_mem>>) src(%dma_wait3A_124 : memref<128x128xf32, #tpu.memory_space<vmem>>) dst(%dma_wait3A_130 : memref<10112x128xf32, #tpu.memory_space<vmem_shared>>)
        tpu.yield
      }) : () -> ()
      %add3A_83 = arith.constant 2 : i32
      %add3A_84 = arith.addi %add3A_72, %add3A_83 : i32
      %lt3A = arith.constant 40 : i32
      %lt3A_85 = arith.cmpi slt, %add3A_84, %lt3A : i32
      %convert_element_type3A = arith.extui %lt3A_85 : i1 to i32
      %cond3A = arith.constant 0 : i32
      %cond3A_86 = arith.cmpi ne, %convert_element_type3A, %cond3A : i32
      scf.if %cond3A_86 {
        %add3A_110 = arith.constant 2 : i32
        %add3A_111 = arith.addi %add3A_72, %add3A_110 : i32
        %dma_start3A_112 = arith.constant 0 : i32
        %dma_start3A_113 = arith.constant 0 : i32
        %dma_start3A_114 = arith.constant 0 : i32
        %dma_start3A_115 = tpu.memref_slice %arg9[%dma_start3A_112, %dma_start3A_113, %dma_start3A_114] : memref<2x128x128xf32, #tpu.memory_space<vmem>> -> memref<1x128x128xf32, #tpu.memory_space<vmem>>
        %dma_start3A_116 = tpu.memref_squeeze %dma_start3A_115 : memref<1x128x128xf32, #tpu.memory_space<vmem>> -> memref<128x128xf32, #tpu.memory_space<vmem>>
        %dma_start3A_117 = arith.constant 0 : i32
        %dma_start3A_118 = tpu.memref_slice %arg7[%add3A_111, %dma_start3A_117] : memref<40x128xi32, #tpu.memory_space<vmem>> -> memref<1x128xi32, #tpu.memory_space<vmem>>
        %dma_start3A_119 = tpu.memref_squeeze %dma_start3A_118 : memref<1x128xi32, #tpu.memory_space<vmem>> -> memref<128xi32, #tpu.memory_space<vmem>>
        %dma_start3A_120 = arith.constant 0 : i32
        %dma_start3A_121 = arith.constant 0 : i32
        %dma_start3A_122 = tpu.memref_slice %arg2[%dma_start3A_120, %dma_start3A_121] : memref<10000x128xf32, #tpu.memory_space<hbm>> -> memref<10000x128xf32, #tpu.memory_space<hbm>>
        tpu.enqueue_indirect_dma source(%dma_start3A_122 : memref<10000x128xf32, #tpu.memory_space<hbm>>) target(%dma_start3A_116 : memref<128x128xf32, #tpu.memory_space<vmem>>) offsets(%dma_start3A_119 : memref<128xi32, #tpu.memory_space<vmem>>) semaphore(%arg11 : memref<!tpu.dma_semaphore, #tpu.memory_space<semaphore_mem>>)
      } else {
      }
      %mul3A_87 = arith.constant 2 : i32
      %mul3A_88 = arith.muli %scan3A_68, %mul3A_87 : i32
      %add3A_89 = arith.constant 1 : i32
      %add3A_90 = arith.addi %mul3A_88, %add3A_89 : i32
      %dma_wait3A_91 = arith.constant 1 : i32
      %dma_wait3A_92 = arith.constant 0 : i32
      %dma_wait3A_93 = arith.constant 0 : i32
      %dma_wait3A_94 = tpu.memref_slice %arg9[%dma_wait3A_91, %dma_wait3A_92, %dma_wait3A_93] : memref<2x128x128xf32, #tpu.memory_space<vmem>> -> memref<1x128x128xf32, #tpu.memory_space<vmem>>
      %dma_wait3A_95 = tpu.memref_squeeze %dma_wait3A_94 : memref<1x128x128xf32, #tpu.memory_space<vmem>> -> memref<128x128xf32, #tpu.memory_space<vmem>>
      %dma_wait3A_96 = arith.constant 0 : i32
      %dma_wait3A_97 = tpu.memref_slice %arg7[%add3A_90, %dma_wait3A_96] : memref<40x128xi32, #tpu.memory_space<vmem>> -> memref<1x128xi32, #tpu.memory_space<vmem>>
      %dma_wait3A_98 = tpu.memref_squeeze %dma_wait3A_97 : memref<1x128xi32, #tpu.memory_space<vmem>> -> memref<128xi32, #tpu.memory_space<vmem>>
      %dma_wait3A_99 = arith.constant 0 : i32
      %dma_wait3A_100 = arith.constant 0 : i32
      %dma_wait3A_101 = tpu.memref_slice %arg2[%dma_wait3A_99, %dma_wait3A_100] : memref<10000x128xf32, #tpu.memory_space<hbm>> -> memref<10000x128xf32, #tpu.memory_space<hbm>>
      tpu.wait_indirect_dma semaphore(%arg12 : memref<!tpu.dma_semaphore, #tpu.memory_space<semaphore_mem>>) src(%dma_wait3A_101 : memref<10000x128xf32, #tpu.memory_space<hbm>>) dst(%dma_wait3A_95 : memref<128x128xf32, #tpu.memory_space<vmem>>)
      %run_scoped3A_102 = arith.constant 1 : i32
      "tpu.region"() ({
        %run_scoped3A_110 = tpu.sem_alloc : memref<!tpu.dma_semaphore, #tpu.memory_space<semaphore_mem>>
        %dma_start3A_111 = arith.constant 0 : i32
        %dma_start3A_112 = arith.constant 0 : i32
        %dma_start3A_113 = tpu.memref_slice %arg9[%run_scoped3A_102, %dma_start3A_111, %dma_start3A_112] : memref<2x128x128xf32, #tpu.memory_space<vmem>> -> memref<1x128x128xf32, #tpu.memory_space<vmem>>
        %dma_start3A_114 = tpu.memref_squeeze %dma_start3A_113 : memref<1x128x128xf32, #tpu.memory_space<vmem>> -> memref<128x128xf32, #tpu.memory_space<vmem>>
        %dma_start3A_115 = arith.constant 0 : i32
        %dma_start3A_116 = tpu.memref_slice %arg8[%add3A_90, %dma_start3A_115] : memref<40x128xi32, #tpu.memory_space<vmem>> -> memref<1x128xi32, #tpu.memory_space<vmem>>
        %dma_start3A_117 = tpu.memref_squeeze %dma_start3A_116 : memref<1x128xi32, #tpu.memory_space<vmem>> -> memref<128xi32, #tpu.memory_space<vmem>>
        %dma_start3A_118 = arith.constant 0 : i32
        %dma_start3A_119 = arith.constant 0 : i32
        %dma_start3A_120 = tpu.memref_slice %arg10[%dma_start3A_118, %dma_start3A_119] : memref<10112x128xf32, #tpu.memory_space<vmem_shared>> -> memref<10112x128xf32, #tpu.memory_space<vmem_shared>>
        tpu.enqueue_indirect_dma source(%dma_start3A_114 : memref<128x128xf32, #tpu.memory_space<vmem>>) target(%dma_start3A_120 : memref<10112x128xf32, #tpu.memory_space<vmem_shared>>) offsets(%dma_start3A_117 : memref<128xi32, #tpu.memory_space<vmem>>) semaphore(%run_scoped3A_110 : memref<!tpu.dma_semaphore, #tpu.memory_space<semaphore_mem>>) {add = true}
        %dma_wait3A_121 = arith.constant 0 : i32
        %dma_wait3A_122 = arith.constant 0 : i32
        %dma_wait3A_123 = tpu.memref_slice %arg9[%run_scoped3A_102, %dma_wait3A_121, %dma_wait3A_122] : memref<2x128x128xf32, #tpu.memory_space<vmem>> -> memref<1x128x128xf32, #tpu.memory_space<vmem>>
        %dma_wait3A_124 = tpu.memref_squeeze %dma_wait3A_123 : memref<1x128x128xf32, #tpu.memory_space<vmem>> -> memref<128x128xf32, #tpu.memory_space<vmem>>
        %dma_wait3A_125 = arith.constant 0 : i32
        %dma_wait3A_126 = tpu.memref_slice %arg8[%add3A_90, %dma_wait3A_125] : memref<40x128xi32, #tpu.memory_space<vmem>> -> memref<1x128xi32, #tpu.memory_space<vmem>>
        %dma_wait3A_127 = tpu.memref_squeeze %dma_wait3A_126 : memref<1x128xi32, #tpu.memory_space<vmem>> -> memref<128xi32, #tpu.memory_space<vmem>>
        %dma_wait3A_128 = arith.constant 0 : i32
        %dma_wait3A_129 = arith.constant 0 : i32
        %dma_wait3A_130 = tpu.memref_slice %arg10[%dma_wait3A_128, %dma_wait3A_129] : memref<10112x128xf32, #tpu.memory_space<vmem_shared>> -> memref<10112x128xf32, #tpu.memory_space<vmem_shared>>
        tpu.wait_indirect_dma semaphore(%run_scoped3A_110 : memref<!tpu.dma_semaphore, #tpu.memory_space<semaphore_mem>>) src(%dma_wait3A_124 : memref<128x128xf32, #tpu.memory_space<vmem>>) dst(%dma_wait3A_130 : memref<10112x128xf32, #tpu.memory_space<vmem_shared>>)
        tpu.yield
      }) : () -> ()
      %add3A_103 = arith.constant 2 : i32
      %add3A_104 = arith.addi %add3A_90, %add3A_103 : i32
      %lt3A_105 = arith.constant 40 : i32
      %lt3A_106 = arith.cmpi slt, %add3A_104, %lt3A_105 : i32
      %convert_element_type3A_107 = arith.extui %lt3A_106 : i1 to i32
      %cond3A_108 = arith.constant 0 : i32
      %cond3A_109 = arith.cmpi ne, %convert_element_type3A_107, %cond3A_108 : i32
      scf.if %cond3A_109 {
        %add3A_110 = arith.constant 2 : i32
        %add3A_111 = arith.addi %add3A_90, %add3A_110 : i32
        %dma_start3A_112 = arith.constant 1 : i32
        %dma_start3A_113 = arith.constant 0 : i32
        %dma_start3A_114 = arith.constant 0 : i32
        %dma_start3A_115 = tpu.memref_slice %arg9[%dma_start3A_112, %dma_start3A_113, %dma_start3A_114] : memref<2x128x128xf32, #tpu.memory_space<vmem>> -> memref<1x128x128xf32, #tpu.memory_space<vmem>>
        %dma_start3A_116 = tpu.memref_squeeze %dma_start3A_115 : memref<1x128x128xf32, #tpu.memory_space<vmem>> -> memref<128x128xf32, #tpu.memory_space<vmem>>
        %dma_start3A_117 = arith.constant 0 : i32
        %dma_start3A_118 = tpu.memref_slice %arg7[%add3A_111, %dma_start3A_117] : memref<40x128xi32, #tpu.memory_space<vmem>> -> memref<1x128xi32, #tpu.memory_space<vmem>>
        %dma_start3A_119 = tpu.memref_squeeze %dma_start3A_118 : memref<1x128xi32, #tpu.memory_space<vmem>> -> memref<128xi32, #tpu.memory_space<vmem>>
        %dma_start3A_120 = arith.constant 0 : i32
        %dma_start3A_121 = arith.constant 0 : i32
        %dma_start3A_122 = tpu.memref_slice %arg2[%dma_start3A_120, %dma_start3A_121] : memref<10000x128xf32, #tpu.memory_space<hbm>> -> memref<10000x128xf32, #tpu.memory_space<hbm>>
        tpu.enqueue_indirect_dma source(%dma_start3A_122 : memref<10000x128xf32, #tpu.memory_space<hbm>>) target(%dma_start3A_116 : memref<128x128xf32, #tpu.memory_space<vmem>>) offsets(%dma_start3A_119 : memref<128xi32, #tpu.memory_space<vmem>>) semaphore(%arg12 : memref<!tpu.dma_semaphore, #tpu.memory_space<semaphore_mem>>)
      } else {
      }
    }
    %scan3A_32 = arith.constant 20 : i32
    "tpu.region"() ({
      %run_scoped3A = tpu.sem_alloc : memref<!tpu.dma_semaphore, #tpu.memory_space<semaphore_mem>>
      %dma_start3A_68 = arith.constant 40 : i32
      %dma_start3A_69 = arith.constant 0 : i32
      %dma_start3A_70 = tpu.memref_slice %arg3[%add3A, %dma_start3A_68, %dma_start3A_69] : memref<32x80x128xi32, #tpu.memory_space<hbm>> -> memref<1x40x128xi32, #tpu.memory_space<hbm>>
      %dma_start3A_71 = tpu.memref_squeeze %dma_start3A_70 : memref<1x40x128xi32, #tpu.memory_space<hbm>> -> memref<40x128xi32, #tpu.memory_space<hbm>>
      %dma_start3A_72 = arith.constant 40 : i32
      %dma_start3A_73 = arith.constant 0 : i32
      %dma_start3A_74 = tpu.memref_slice %arg3[%add3A, %dma_start3A_72, %dma_start3A_73] : memref<32x80x128xi32, #tpu.memory_space<hbm>> -> memref<1x40x128xi32, #tpu.memory_space<hbm>>
      %dma_start3A_75 = tpu.memref_squeeze %dma_start3A_74 : memref<1x40x128xi32, #tpu.memory_space<hbm>> -> memref<40x128xi32, #tpu.memory_space<hbm>>
      tpu.enqueue_dma source(%dma_start3A_75 : memref<40x128xi32, #tpu.memory_space<hbm>>) target(%arg7 : memref<40x128xi32, #tpu.memory_space<vmem>>) target_semaphore(%run_scoped3A : memref<!tpu.dma_semaphore, #tpu.memory_space<semaphore_mem>>)
      %dma_wait3A = arith.constant 40 : i32
      %dma_wait3A_76 = arith.constant 0 : i32
      %dma_wait3A_77 = tpu.memref_slice %arg3[%add3A, %dma_wait3A, %dma_wait3A_76] : memref<32x80x128xi32, #tpu.memory_space<hbm>> -> memref<1x40x128xi32, #tpu.memory_space<hbm>>
      %dma_wait3A_78 = tpu.memref_squeeze %dma_wait3A_77 : memref<1x40x128xi32, #tpu.memory_space<hbm>> -> memref<40x128xi32, #tpu.memory_space<hbm>>
      %dma_wait3A_79 = arith.constant 40 : i32
      %dma_wait3A_80 = arith.constant 0 : i32
      %dma_wait3A_81 = tpu.memref_slice %arg3[%add3A, %dma_wait3A_79, %dma_wait3A_80] : memref<32x80x128xi32, #tpu.memory_space<hbm>> -> memref<1x40x128xi32, #tpu.memory_space<hbm>>
      %dma_wait3A_82 = tpu.memref_squeeze %dma_wait3A_81 : memref<1x40x128xi32, #tpu.memory_space<hbm>> -> memref<40x128xi32, #tpu.memory_space<hbm>>
      tpu.wait_dma2 semaphore(%run_scoped3A : memref<!tpu.dma_semaphore, #tpu.memory_space<semaphore_mem>>) src(%dma_wait3A_82 : memref<40x128xi32, #tpu.memory_space<hbm>>) dst(%arg7 : memref<40x128xi32, #tpu.memory_space<vmem>>)
      tpu.yield
    }) : () -> ()
    "tpu.region"() ({
      %run_scoped3A = tpu.sem_alloc : memref<!tpu.dma_semaphore, #tpu.memory_space<semaphore_mem>>
      %dma_start3A_68 = arith.constant 40 : i32
      %dma_start3A_69 = arith.constant 0 : i32
      %dma_start3A_70 = tpu.memref_slice %arg4[%add3A, %dma_start3A_68, %dma_start3A_69] : memref<32x80x128xi32, #tpu.memory_space<hbm>> -> memref<1x40x128xi32, #tpu.memory_space<hbm>>
      %dma_start3A_71 = tpu.memref_squeeze %dma_start3A_70 : memref<1x40x128xi32, #tpu.memory_space<hbm>> -> memref<40x128xi32, #tpu.memory_space<hbm>>
      %dma_start3A_72 = arith.constant 40 : i32
      %dma_start3A_73 = arith.constant 0 : i32
      %dma_start3A_74 = tpu.memref_slice %arg4[%add3A, %dma_start3A_72, %dma_start3A_73] : memref<32x80x128xi32, #tpu.memory_space<hbm>> -> memref<1x40x128xi32, #tpu.memory_space<hbm>>
      %dma_start3A_75 = tpu.memref_squeeze %dma_start3A_74 : memref<1x40x128xi32, #tpu.memory_space<hbm>> -> memref<40x128xi32, #tpu.memory_space<hbm>>
      tpu.enqueue_dma source(%dma_start3A_75 : memref<40x128xi32, #tpu.memory_space<hbm>>) target(%arg8 : memref<40x128xi32, #tpu.memory_space<vmem>>) target_semaphore(%run_scoped3A : memref<!tpu.dma_semaphore, #tpu.memory_space<semaphore_mem>>)
      %dma_wait3A = arith.constant 40 : i32
      %dma_wait3A_76 = arith.constant 0 : i32
      %dma_wait3A_77 = tpu.memref_slice %arg4[%add3A, %dma_wait3A, %dma_wait3A_76] : memref<32x80x128xi32, #tpu.memory_space<hbm>> -> memref<1x40x128xi32, #tpu.memory_space<hbm>>
      %dma_wait3A_78 = tpu.memref_squeeze %dma_wait3A_77 : memref<1x40x128xi32, #tpu.memory_space<hbm>> -> memref<40x128xi32, #tpu.memory_space<hbm>>
      %dma_wait3A_79 = arith.constant 40 : i32
      %dma_wait3A_80 = arith.constant 0 : i32
      %dma_wait3A_81 = tpu.memref_slice %arg4[%add3A, %dma_wait3A_79, %dma_wait3A_80] : memref<32x80x128xi32, #tpu.memory_space<hbm>> -> memref<1x40x128xi32, #tpu.memory_space<hbm>>
      %dma_wait3A_82 = tpu.memref_squeeze %dma_wait3A_81 : memref<1x40x128xi32, #tpu.memory_space<hbm>> -> memref<40x128xi32, #tpu.memory_space<hbm>>
      tpu.wait_dma2 semaphore(%run_scoped3A : memref<!tpu.dma_semaphore, #tpu.memory_space<semaphore_mem>>) src(%dma_wait3A_82 : memref<40x128xi32, #tpu.memory_space<hbm>>) dst(%arg8 : memref<40x128xi32, #tpu.memory_space<vmem>>)
      tpu.yield
    }) : () -> ()
    %dma_start3A_33 = arith.constant 0 : i32
    %dma_start3A_34 = arith.constant 0 : i32
    %dma_start3A_35 = arith.constant 0 : i32
    %dma_start3A_36 = arith.constant 0 : i32
    %dma_start3A_37 = tpu.memref_slice %arg9[%dma_start3A_34, %dma_start3A_35, %dma_start3A_36] : memref<2x128x128xf32, #tpu.memory_space<vmem>> -> memref<1x128x128xf32, #tpu.memory_space<vmem>>
    %dma_start3A_38 = tpu.memref_squeeze %dma_start3A_37 : memref<1x128x128xf32, #tpu.memory_space<vmem>> -> memref<128x128xf32, #tpu.memory_space<vmem>>
    %dma_start3A_39 = arith.constant 0 : i32
    %dma_start3A_40 = tpu.memref_slice %arg7[%dma_start3A_33, %dma_start3A_39] : memref<40x128xi32, #tpu.memory_space<vmem>> -> memref<1x128xi32, #tpu.memory_space<vmem>>
    %dma_start3A_41 = tpu.memref_squeeze %dma_start3A_40 : memref<1x128xi32, #tpu.memory_space<vmem>> -> memref<128xi32, #tpu.memory_space<vmem>>
    %dma_start3A_42 = arith.constant 0 : i32
    %dma_start3A_43 = arith.constant 0 : i32
    %dma_start3A_44 = tpu.memref_slice %arg2[%dma_start3A_42, %dma_start3A_43] : memref<10000x128xf32, #tpu.memory_space<hbm>> -> memref<10000x128xf32, #tpu.memory_space<hbm>>
    tpu.enqueue_indirect_dma source(%dma_start3A_44 : memref<10000x128xf32, #tpu.memory_space<hbm>>) target(%dma_start3A_38 : memref<128x128xf32, #tpu.memory_space<vmem>>) offsets(%dma_start3A_41 : memref<128xi32, #tpu.memory_space<vmem>>) semaphore(%arg11 : memref<!tpu.dma_semaphore, #tpu.memory_space<semaphore_mem>>)
    %dma_start3A_45 = arith.constant 1 : i32
    %dma_start3A_46 = arith.constant 1 : i32
    %dma_start3A_47 = arith.constant 0 : i32
    %dma_start3A_48 = arith.constant 0 : i32
    %dma_start3A_49 = tpu.memref_slice %arg9[%dma_start3A_46, %dma_start3A_47, %dma_start3A_48] : memref<2x128x128xf32, #tpu.memory_space<vmem>> -> memref<1x128x128xf32, #tpu.memory_space<vmem>>
    %dma_start3A_50 = tpu.memref_squeeze %dma_start3A_49 : memref<1x128x128xf32, #tpu.memory_space<vmem>> -> memref<128x128xf32, #tpu.memory_space<vmem>>
    %dma_start3A_51 = arith.constant 0 : i32
    %dma_start3A_52 = tpu.memref_slice %arg7[%dma_start3A_45, %dma_start3A_51] : memref<40x128xi32, #tpu.memory_space<vmem>> -> memref<1x128xi32, #tpu.memory_space<vmem>>
    %dma_start3A_53 = tpu.memref_squeeze %dma_start3A_52 : memref<1x128xi32, #tpu.memory_space<vmem>> -> memref<128xi32, #tpu.memory_space<vmem>>
    %dma_start3A_54 = arith.constant 0 : i32
    %dma_start3A_55 = arith.constant 0 : i32
    %dma_start3A_56 = tpu.memref_slice %arg2[%dma_start3A_54, %dma_start3A_55] : memref<10000x128xf32, #tpu.memory_space<hbm>> -> memref<10000x128xf32, #tpu.memory_space<hbm>>
    tpu.enqueue_indirect_dma source(%dma_start3A_56 : memref<10000x128xf32, #tpu.memory_space<hbm>>) target(%dma_start3A_50 : memref<128x128xf32, #tpu.memory_space<vmem>>) offsets(%dma_start3A_53 : memref<128xi32, #tpu.memory_space<vmem>>) semaphore(%arg12 : memref<!tpu.dma_semaphore, #tpu.memory_space<semaphore_mem>>)
    %scan3A_57 = arith.constant 0 : i32
    %scan3A_58 = arith.constant 0 : i32
    %scan3A_59 = arith.constant 20 : i32
    %scan3A_60 = arith.addi %scan3A_58, %scan3A_59 : i32
    %scan3A_61 = arith.constant 1 : i32
    scf.for %scan3A_68 = %scan3A_58 to %scan3A_60 step %scan3A_61  : i32 {
      %mul3A_69 = arith.constant 2 : i32
      %mul3A_70 = arith.muli %scan3A_68, %mul3A_69 : i32
      %add3A_71 = arith.constant 0 : i32
      %add3A_72 = arith.addi %mul3A_70, %add3A_71 : i32
      %dma_wait3A = arith.constant 0 : i32
      %dma_wait3A_73 = arith.constant 0 : i32
      %dma_wait3A_74 = arith.constant 0 : i32
      %dma_wait3A_75 = tpu.memref_slice %arg9[%dma_wait3A, %dma_wait3A_73, %dma_wait3A_74] : memref<2x128x128xf32, #tpu.memory_space<vmem>> -> memref<1x128x128xf32, #tpu.memory_space<vmem>>
      %dma_wait3A_76 = tpu.memref_squeeze %dma_wait3A_75 : memref<1x128x128xf32, #tpu.memory_space<vmem>> -> memref<128x128xf32, #tpu.memory_space<vmem>>
      %dma_wait3A_77 = arith.constant 0 : i32
      %dma_wait3A_78 = tpu.memref_slice %arg7[%add3A_72, %dma_wait3A_77] : memref<40x128xi32, #tpu.memory_space<vmem>> -> memref<1x128xi32, #tpu.memory_space<vmem>>
      %dma_wait3A_79 = tpu.memref_squeeze %dma_wait3A_78 : memref<1x128xi32, #tpu.memory_space<vmem>> -> memref<128xi32, #tpu.memory_space<vmem>>
      %dma_wait3A_80 = arith.constant 0 : i32
      %dma_wait3A_81 = arith.constant 0 : i32
      %dma_wait3A_82 = tpu.memref_slice %arg2[%dma_wait3A_80, %dma_wait3A_81] : memref<10000x128xf32, #tpu.memory_space<hbm>> -> memref<10000x128xf32, #tpu.memory_space<hbm>>
      tpu.wait_indirect_dma semaphore(%arg11 : memref<!tpu.dma_semaphore, #tpu.memory_space<semaphore_mem>>) src(%dma_wait3A_82 : memref<10000x128xf32, #tpu.memory_space<hbm>>) dst(%dma_wait3A_76 : memref<128x128xf32, #tpu.memory_space<vmem>>)
      %run_scoped3A = arith.constant 0 : i32
      "tpu.region"() ({
        %run_scoped3A_110 = tpu.sem_alloc : memref<!tpu.dma_semaphore, #tpu.memory_space<semaphore_mem>>
        %dma_start3A_111 = arith.constant 0 : i32
        %dma_start3A_112 = arith.constant 0 : i32
        %dma_start3A_113 = tpu.memref_slice %arg9[%run_scoped3A, %dma_start3A_111, %dma_start3A_112] : memref<2x128x128xf32, #tpu.memory_space<vmem>> -> memref<1x128x128xf32, #tpu.memory_space<vmem>>
        %dma_start3A_114 = tpu.memref_squeeze %dma_start3A_113 : memref<1x128x128xf32, #tpu.memory_space<vmem>> -> memref<128x128xf32, #tpu.memory_space<vmem>>
        %dma_start3A_115 = arith.constant 0 : i32
        %dma_start3A_116 = tpu.memref_slice %arg8[%add3A_72, %dma_start3A_115] : memref<40x128xi32, #tpu.memory_space<vmem>> -> memref<1x128xi32, #tpu.memory_space<vmem>>
        %dma_start3A_117 = tpu.memref_squeeze %dma_start3A_116 : memref<1x128xi32, #tpu.memory_space<vmem>> -> memref<128xi32, #tpu.memory_space<vmem>>
        %dma_start3A_118 = arith.constant 0 : i32
        %dma_start3A_119 = arith.constant 0 : i32
        %dma_start3A_120 = tpu.memref_slice %arg10[%dma_start3A_118, %dma_start3A_119] : memref<10112x128xf32, #tpu.memory_space<vmem_shared>> -> memref<10112x128xf32, #tpu.memory_space<vmem_shared>>
        tpu.enqueue_indirect_dma source(%dma_start3A_114 : memref<128x128xf32, #tpu.memory_space<vmem>>) target(%dma_start3A_120 : memref<10112x128xf32, #tpu.memory_space<vmem_shared>>) offsets(%dma_start3A_117 : memref<128xi32, #tpu.memory_space<vmem>>) semaphore(%run_scoped3A_110 : memref<!tpu.dma_semaphore, #tpu.memory_space<semaphore_mem>>) {add = true}
        %dma_wait3A_121 = arith.constant 0 : i32
        %dma_wait3A_122 = arith.constant 0 : i32
        %dma_wait3A_123 = tpu.memref_slice %arg9[%run_scoped3A, %dma_wait3A_121, %dma_wait3A_122] : memref<2x128x128xf32, #tpu.memory_space<vmem>> -> memref<1x128x128xf32, #tpu.memory_space<vmem>>
        %dma_wait3A_124 = tpu.memref_squeeze %dma_wait3A_123 : memref<1x128x128xf32, #tpu.memory_space<vmem>> -> memref<128x128xf32, #tpu.memory_space<vmem>>
        %dma_wait3A_125 = arith.constant 0 : i32
        %dma_wait3A_126 = tpu.memref_slice %arg8[%add3A_72, %dma_wait3A_125] : memref<40x128xi32, #tpu.memory_space<vmem>> -> memref<1x128xi32, #tpu.memory_space<vmem>>
        %dma_wait3A_127 = tpu.memref_squeeze %dma_wait3A_126 : memref<1x128xi32, #tpu.memory_space<vmem>> -> memref<128xi32, #tpu.memory_space<vmem>>
        %dma_wait3A_128 = arith.constant 0 : i32
        %dma_wait3A_129 = arith.constant 0 : i32
        %dma_wait3A_130 = tpu.memref_slice %arg10[%dma_wait3A_128, %dma_wait3A_129] : memref<10112x128xf32, #tpu.memory_space<vmem_shared>> -> memref<10112x128xf32, #tpu.memory_space<vmem_shared>>
        tpu.wait_indirect_dma semaphore(%run_scoped3A_110 : memref<!tpu.dma_semaphore, #tpu.memory_space<semaphore_mem>>) src(%dma_wait3A_124 : memref<128x128xf32, #tpu.memory_space<vmem>>) dst(%dma_wait3A_130 : memref<10112x128xf32, #tpu.memory_space<vmem_shared>>)
        tpu.yield
      }) : () -> ()
      %add3A_83 = arith.constant 2 : i32
      %add3A_84 = arith.addi %add3A_72, %add3A_83 : i32
      %lt3A = arith.constant 40 : i32
      %lt3A_85 = arith.cmpi slt, %add3A_84, %lt3A : i32
      %convert_element_type3A = arith.extui %lt3A_85 : i1 to i32
      %cond3A = arith.constant 0 : i32
      %cond3A_86 = arith.cmpi ne, %convert_element_type3A, %cond3A : i32
      scf.if %cond3A_86 {
        %add3A_110 = arith.constant 2 : i32
        %add3A_111 = arith.addi %add3A_72, %add3A_110 : i32
        %dma_start3A_112 = arith.constant 0 : i32
        %dma_start3A_113 = arith.constant 0 : i32
        %dma_start3A_114 = arith.constant 0 : i32
        %dma_start3A_115 = tpu.memref_slice %arg9[%dma_start3A_112, %dma_start3A_113, %dma_start3A_114] : memref<2x128x128xf32, #tpu.memory_space<vmem>> -> memref<1x128x128xf32, #tpu.memory_space<vmem>>
        %dma_start3A_116 = tpu.memref_squeeze %dma_start3A_115 : memref<1x128x128xf32, #tpu.memory_space<vmem>> -> memref<128x128xf32, #tpu.memory_space<vmem>>
        %dma_start3A_117 = arith.constant 0 : i32
        %dma_start3A_118 = tpu.memref_slice %arg7[%add3A_111, %dma_start3A_117] : memref<40x128xi32, #tpu.memory_space<vmem>> -> memref<1x128xi32, #tpu.memory_space<vmem>>
        %dma_start3A_119 = tpu.memref_squeeze %dma_start3A_118 : memref<1x128xi32, #tpu.memory_space<vmem>> -> memref<128xi32, #tpu.memory_space<vmem>>
        %dma_start3A_120 = arith.constant 0 : i32
        %dma_start3A_121 = arith.constant 0 : i32
        %dma_start3A_122 = tpu.memref_slice %arg2[%dma_start3A_120, %dma_start3A_121] : memref<10000x128xf32, #tpu.memory_space<hbm>> -> memref<10000x128xf32, #tpu.memory_space<hbm>>
        tpu.enqueue_indirect_dma source(%dma_start3A_122 : memref<10000x128xf32, #tpu.memory_space<hbm>>) target(%dma_start3A_116 : memref<128x128xf32, #tpu.memory_space<vmem>>) offsets(%dma_start3A_119 : memref<128xi32, #tpu.memory_space<vmem>>) semaphore(%arg11 : memref<!tpu.dma_semaphore, #tpu.memory_space<semaphore_mem>>)
      } else {
      }
      %mul3A_87 = arith.constant 2 : i32
      %mul3A_88 = arith.muli %scan3A_68, %mul3A_87 : i32
      %add3A_89 = arith.constant 1 : i32
      %add3A_90 = arith.addi %mul3A_88, %add3A_89 : i32
      %dma_wait3A_91 = arith.constant 1 : i32
      %dma_wait3A_92 = arith.constant 0 : i32
      %dma_wait3A_93 = arith.constant 0 : i32
      %dma_wait3A_94 = tpu.memref_slice %arg9[%dma_wait3A_91, %dma_wait3A_92, %dma_wait3A_93] : memref<2x128x128xf32, #tpu.memory_space<vmem>> -> memref<1x128x128xf32, #tpu.memory_space<vmem>>
      %dma_wait3A_95 = tpu.memref_squeeze %dma_wait3A_94 : memref<1x128x128xf32, #tpu.memory_space<vmem>> -> memref<128x128xf32, #tpu.memory_space<vmem>>
      %dma_wait3A_96 = arith.constant 0 : i32
      %dma_wait3A_97 = tpu.memref_slice %arg7[%add3A_90, %dma_wait3A_96] : memref<40x128xi32, #tpu.memory_space<vmem>> -> memref<1x128xi32, #tpu.memory_space<vmem>>
      %dma_wait3A_98 = tpu.memref_squeeze %dma_wait3A_97 : memref<1x128xi32, #tpu.memory_space<vmem>> -> memref<128xi32, #tpu.memory_space<vmem>>
      %dma_wait3A_99 = arith.constant 0 : i32
      %dma_wait3A_100 = arith.constant 0 : i32
      %dma_wait3A_101 = tpu.memref_slice %arg2[%dma_wait3A_99, %dma_wait3A_100] : memref<10000x128xf32, #tpu.memory_space<hbm>> -> memref<10000x128xf32, #tpu.memory_space<hbm>>
      tpu.wait_indirect_dma semaphore(%arg12 : memref<!tpu.dma_semaphore, #tpu.memory_space<semaphore_mem>>) src(%dma_wait3A_101 : memref<10000x128xf32, #tpu.memory_space<hbm>>) dst(%dma_wait3A_95 : memref<128x128xf32, #tpu.memory_space<vmem>>)
      %run_scoped3A_102 = arith.constant 1 : i32
      "tpu.region"() ({
        %run_scoped3A_110 = tpu.sem_alloc : memref<!tpu.dma_semaphore, #tpu.memory_space<semaphore_mem>>
        %dma_start3A_111 = arith.constant 0 : i32
        %dma_start3A_112 = arith.constant 0 : i32
        %dma_start3A_113 = tpu.memref_slice %arg9[%run_scoped3A_102, %dma_start3A_111, %dma_start3A_112] : memref<2x128x128xf32, #tpu.memory_space<vmem>> -> memref<1x128x128xf32, #tpu.memory_space<vmem>>
        %dma_start3A_114 = tpu.memref_squeeze %dma_start3A_113 : memref<1x128x128xf32, #tpu.memory_space<vmem>> -> memref<128x128xf32, #tpu.memory_space<vmem>>
        %dma_start3A_115 = arith.constant 0 : i32
        %dma_start3A_116 = tpu.memref_slice %arg8[%add3A_90, %dma_start3A_115] : memref<40x128xi32, #tpu.memory_space<vmem>> -> memref<1x128xi32, #tpu.memory_space<vmem>>
        %dma_start3A_117 = tpu.memref_squeeze %dma_start3A_116 : memref<1x128xi32, #tpu.memory_space<vmem>> -> memref<128xi32, #tpu.memory_space<vmem>>
        %dma_start3A_118 = arith.constant 0 : i32
        %dma_start3A_119 = arith.constant 0 : i32
        %dma_start3A_120 = tpu.memref_slice %arg10[%dma_start3A_118, %dma_start3A_119] : memref<10112x128xf32, #tpu.memory_space<vmem_shared>> -> memref<10112x128xf32, #tpu.memory_space<vmem_shared>>
        tpu.enqueue_indirect_dma source(%dma_start3A_114 : memref<128x128xf32, #tpu.memory_space<vmem>>) target(%dma_start3A_120 : memref<10112x128xf32, #tpu.memory_space<vmem_shared>>) offsets(%dma_start3A_117 : memref<128xi32, #tpu.memory_space<vmem>>) semaphore(%run_scoped3A_110 : memref<!tpu.dma_semaphore, #tpu.memory_space<semaphore_mem>>) {add = true}
        %dma_wait3A_121 = arith.constant 0 : i32
        %dma_wait3A_122 = arith.constant 0 : i32
        %dma_wait3A_123 = tpu.memref_slice %arg9[%run_scoped3A_102, %dma_wait3A_121, %dma_wait3A_122] : memref<2x128x128xf32, #tpu.memory_space<vmem>> -> memref<1x128x128xf32, #tpu.memory_space<vmem>>
        %dma_wait3A_124 = tpu.memref_squeeze %dma_wait3A_123 : memref<1x128x128xf32, #tpu.memory_space<vmem>> -> memref<128x128xf32, #tpu.memory_space<vmem>>
        %dma_wait3A_125 = arith.constant 0 : i32
        %dma_wait3A_126 = tpu.memref_slice %arg8[%add3A_90, %dma_wait3A_125] : memref<40x128xi32, #tpu.memory_space<vmem>> -> memref<1x128xi32, #tpu.memory_space<vmem>>
        %dma_wait3A_127 = tpu.memref_squeeze %dma_wait3A_126 : memref<1x128xi32, #tpu.memory_space<vmem>> -> memref<128xi32, #tpu.memory_space<vmem>>
        %dma_wait3A_128 = arith.constant 0 : i32
        %dma_wait3A_129 = arith.constant 0 : i32
        %dma_wait3A_130 = tpu.memref_slice %arg10[%dma_wait3A_128, %dma_wait3A_129] : memref<10112x128xf32, #tpu.memory_space<vmem_shared>> -> memref<10112x128xf32, #tpu.memory_space<vmem_shared>>
        tpu.wait_indirect_dma semaphore(%run_scoped3A_110 : memref<!tpu.dma_semaphore, #tpu.memory_space<semaphore_mem>>) src(%dma_wait3A_124 : memref<128x128xf32, #tpu.memory_space<vmem>>) dst(%dma_wait3A_130 : memref<10112x128xf32, #tpu.memory_space<vmem_shared>>)
        tpu.yield
      }) : () -> ()
      %add3A_103 = arith.constant 2 : i32
      %add3A_104 = arith.addi %add3A_90, %add3A_103 : i32
      %lt3A_105 = arith.constant 40 : i32
      %lt3A_106 = arith.cmpi slt, %add3A_104, %lt3A_105 : i32
      %convert_element_type3A_107 = arith.extui %lt3A_106 : i1 to i32
      %cond3A_108 = arith.constant 0 : i32
      %cond3A_109 = arith.cmpi ne, %convert_element_type3A_107, %cond3A_108 : i32
      scf.if %cond3A_109 {
        %add3A_110 = arith.constant 2 : i32
        %add3A_111 = arith.addi %add3A_90, %add3A_110 : i32
        %dma_start3A_112 = arith.constant 1 : i32
        %dma_start3A_113 = arith.constant 0 : i32
        %dma_start3A_114 = arith.constant 0 : i32
        %dma_start3A_115 = tpu.memref_slice %arg9[%dma_start3A_112, %dma_start3A_113, %dma_start3A_114] : memref<2x128x128xf32, #tpu.memory_space<vmem>> -> memref<1x128x128xf32, #tpu.memory_space<vmem>>
        %dma_start3A_116 = tpu.memref_squeeze %dma_start3A_115 : memref<1x128x128xf32, #tpu.memory_space<vmem>> -> memref<128x128xf32, #tpu.memory_space<vmem>>
        %dma_start3A_117 = arith.constant 0 : i32
        %dma_start3A_118 = tpu.memref_slice %arg7[%add3A_111, %dma_start3A_117] : memref<40x128xi32, #tpu.memory_space<vmem>> -> memref<1x128xi32, #tpu.memory_space<vmem>>
        %dma_start3A_119 = tpu.memref_squeeze %dma_start3A_118 : memref<1x128xi32, #tpu.memory_space<vmem>> -> memref<128xi32, #tpu.memory_space<vmem>>
        %dma_start3A_120 = arith.constant 0 : i32
        %dma_start3A_121 = arith.constant 0 : i32
        %dma_start3A_122 = tpu.memref_slice %arg2[%dma_start3A_120, %dma_start3A_121] : memref<10000x128xf32, #tpu.memory_space<hbm>> -> memref<10000x128xf32, #tpu.memory_space<hbm>>
        tpu.enqueue_indirect_dma source(%dma_start3A_122 : memref<10000x128xf32, #tpu.memory_space<hbm>>) target(%dma_start3A_116 : memref<128x128xf32, #tpu.memory_space<vmem>>) offsets(%dma_start3A_119 : memref<128xi32, #tpu.memory_space<vmem>>) semaphore(%arg12 : memref<!tpu.dma_semaphore, #tpu.memory_space<semaphore_mem>>)
      } else {
      }
    }
    %scan3A_62 = arith.constant 20 : i32
    %barrier3A_63 = arith.constant 0 : index
    tpu.barrier barrier_id(%barrier3A_63)
    %mul3A_64 = arith.constant 632 : i32
    %mul3A_65 = arith.muli %arg1, %mul3A_64 : i32
    %mul3A_66 = arith.constant 632 : i32
    %mul3A_67 = arith.muli %arg1, %mul3A_66 : i32
    "tpu.region"() ({
      %run_scoped3A = tpu.sem_alloc : memref<!tpu.dma_semaphore, #tpu.memory_space<semaphore_mem>>
      %dma_start3A_68 = arith.constant 0 : i32
      %dma_start3A_69 = arith.constant 0 : i32
      %dma_start3A_70 = tpu.memref_slice %arg6[%arg0, %dma_start3A_68, %dma_start3A_69] : memref<2x10112x128xf32, #tpu.memory_space<hbm>> -> memref<1x10112x128xf32, #tpu.memory_space<hbm>>
      %dma_start3A_71 = tpu.memref_squeeze %dma_start3A_70 : memref<1x10112x128xf32, #tpu.memory_space<hbm>> -> memref<10112x128xf32, #tpu.memory_space<hbm>>
      %dma_start3A_72 = arith.constant 0 : i32
      %dma_start3A_73 = tpu.memref_slice %dma_start3A_71[%mul3A_67, %dma_start3A_72] : memref<10112x128xf32, #tpu.memory_space<hbm>> -> memref<632x128xf32, #tpu.memory_space<hbm>>
      %dma_start3A_74 = arith.constant 0 : i32
      %dma_start3A_75 = tpu.memref_slice %arg10[%mul3A_65, %dma_start3A_74] : memref<10112x128xf32, #tpu.memory_space<vmem_shared>> -> memref<632x128xf32, #tpu.memory_space<vmem_shared>>
      tpu.enqueue_dma source(%dma_start3A_75 : memref<632x128xf32, #tpu.memory_space<vmem_shared>>) target(%dma_start3A_73 : memref<632x128xf32, #tpu.memory_space<hbm>>) target_semaphore(%run_scoped3A : memref<!tpu.dma_semaphore, #tpu.memory_space<semaphore_mem>>)
      %dma_wait3A = arith.constant 0 : i32
      %dma_wait3A_76 = arith.constant 0 : i32
      %dma_wait3A_77 = tpu.memref_slice %arg6[%arg0, %dma_wait3A, %dma_wait3A_76] : memref<2x10112x128xf32, #tpu.memory_space<hbm>> -> memref<1x10112x128xf32, #tpu.memory_space<hbm>>
      %dma_wait3A_78 = tpu.memref_squeeze %dma_wait3A_77 : memref<1x10112x128xf32, #tpu.memory_space<hbm>> -> memref<10112x128xf32, #tpu.memory_space<hbm>>
      %dma_wait3A_79 = arith.constant 0 : i32
      %dma_wait3A_80 = tpu.memref_slice %dma_wait3A_78[%mul3A_67, %dma_wait3A_79] : memref<10112x128xf32, #tpu.memory_space<hbm>> -> memref<632x128xf32, #tpu.memory_space<hbm>>
      %dma_wait3A_81 = arith.constant 0 : i32
      %dma_wait3A_82 = tpu.memref_slice %arg10[%mul3A_65, %dma_wait3A_81] : memref<10112x128xf32, #tpu.memory_space<vmem_shared>> -> memref<632x128xf32, #tpu.memory_space<vmem_shared>>
      tpu.wait_dma2 semaphore(%run_scoped3A : memref<!tpu.dma_semaphore, #tpu.memory_space<semaphore_mem>>) src(%dma_wait3A_82 : memref<632x128xf32, #tpu.memory_space<vmem_shared>>) dst(%dma_wait3A_80 : memref<632x128xf32, #tpu.memory_space<hbm>>)
      tpu.yield
    }) : () -> ()
    return
  }
}

#map = affine_map<(d0, d1) -> (0, 0, 0)>
#map1 = affine_map<(d0, d1) -> (0, 0)>
module attributes {stable_mosaic.version = 14 : i64} {
  func.func @_deg_body(%arg0: i32, %arg1: i32, %arg2: memref<32x80x128xi32, #tpu.memory_space<hbm>>, %arg3: memref<10112x128xf32, #tpu.memory_space<hbm>>, %arg4: memref<128x128xf32, #tpu.memory_space<hbm>>, %arg5: memref<2x10112x128xf32, #tpu.memory_space<hbm>>, %arg6: memref<80x128xi32, #tpu.memory_space<vmem>>, %arg7: memref<128x128xf32, #tpu.memory_space<vmem>>, %arg8: memref<10112x128xf32, #tpu.memory_space<vmem_shared>>, %arg9: memref<!tpu.dma_semaphore, #tpu.memory_space<semaphore_mem>>) attributes {dimension_semantics = [#tpu.dimension_semantics<core_parallel>, #tpu.dimension_semantics<subcore_parallel>], iteration_bounds = array<i64: 2, 16>, scalar_prefetch = 0 : i64, scratch_operands = 4 : i64, tpu.core_type = #tpu.core_type<sc_vector_subcore>, window_params = [{transform_indices = #map}, {transform_indices = #map1}, {transform_indices = #map1}, {transform_indices = #map}]} {
    %mul3A = arith.constant 16 : i32
    %mul3A_0 = arith.muli %arg0, %mul3A : i32
    %add3A = arith.addi %mul3A_0, %arg1 : i32
    %mul3A_1 = arith.constant 632 : i32
    %mul3A_2 = arith.muli %arg1, %mul3A_1 : i32
    %mul3A_3 = arith.constant 632 : i32
    %mul3A_4 = arith.muli %arg1, %mul3A_3 : i32
    "tpu.region"() ({
      %run_scoped3A = tpu.sem_alloc : memref<!tpu.dma_semaphore, #tpu.memory_space<semaphore_mem>>
      %dma_start3A_70 = arith.constant 0 : i32
      %dma_start3A_71 = tpu.memref_slice %arg8[%mul3A_4, %dma_start3A_70] : memref<10112x128xf32, #tpu.memory_space<vmem_shared>> -> memref<632x128xf32, #tpu.memory_space<vmem_shared>>
      %dma_start3A_72 = arith.constant 0 : i32
      %dma_start3A_73 = tpu.memref_slice %arg3[%mul3A_2, %dma_start3A_72] : memref<10112x128xf32, #tpu.memory_space<hbm>> -> memref<632x128xf32, #tpu.memory_space<hbm>>
      tpu.enqueue_dma source(%dma_start3A_73 : memref<632x128xf32, #tpu.memory_space<hbm>>) target(%dma_start3A_71 : memref<632x128xf32, #tpu.memory_space<vmem_shared>>) target_semaphore(%run_scoped3A : memref<!tpu.dma_semaphore, #tpu.memory_space<semaphore_mem>>)
      %dma_wait3A = arith.constant 0 : i32
      %dma_wait3A_74 = tpu.memref_slice %arg8[%mul3A_4, %dma_wait3A] : memref<10112x128xf32, #tpu.memory_space<vmem_shared>> -> memref<632x128xf32, #tpu.memory_space<vmem_shared>>
      %dma_wait3A_75 = arith.constant 0 : i32
      %dma_wait3A_76 = tpu.memref_slice %arg3[%mul3A_2, %dma_wait3A_75] : memref<10112x128xf32, #tpu.memory_space<hbm>> -> memref<632x128xf32, #tpu.memory_space<hbm>>
      tpu.wait_dma2 semaphore(%run_scoped3A : memref<!tpu.dma_semaphore, #tpu.memory_space<semaphore_mem>>) src(%dma_wait3A_76 : memref<632x128xf32, #tpu.memory_space<hbm>>) dst(%dma_wait3A_74 : memref<632x128xf32, #tpu.memory_space<vmem_shared>>)
      tpu.yield
    }) : () -> ()
    "tpu.region"() ({
      %run_scoped3A = tpu.sem_alloc : memref<!tpu.dma_semaphore, #tpu.memory_space<semaphore_mem>>
      tpu.enqueue_dma source(%arg4 : memref<128x128xf32, #tpu.memory_space<hbm>>) target(%arg7 : memref<128x128xf32, #tpu.memory_space<vmem>>) target_semaphore(%run_scoped3A : memref<!tpu.dma_semaphore, #tpu.memory_space<semaphore_mem>>)
      tpu.wait_dma2 semaphore(%run_scoped3A : memref<!tpu.dma_semaphore, #tpu.memory_space<semaphore_mem>>) src(%arg4 : memref<128x128xf32, #tpu.memory_space<hbm>>) dst(%arg7 : memref<128x128xf32, #tpu.memory_space<vmem>>)
      tpu.yield
    }) : () -> ()
    "tpu.region"() ({
      %run_scoped3A = tpu.sem_alloc : memref<!tpu.dma_semaphore, #tpu.memory_space<semaphore_mem>>
      %dma_start3A_70 = arith.constant 0 : i32
      %dma_start3A_71 = arith.constant 0 : i32
      %dma_start3A_72 = tpu.memref_slice %arg2[%add3A, %dma_start3A_70, %dma_start3A_71] : memref<32x80x128xi32, #tpu.memory_space<hbm>> -> memref<1x80x128xi32, #tpu.memory_space<hbm>>
      %dma_start3A_73 = tpu.memref_squeeze %dma_start3A_72 : memref<1x80x128xi32, #tpu.memory_space<hbm>> -> memref<80x128xi32, #tpu.memory_space<hbm>>
      %dma_start3A_74 = arith.constant 0 : i32
      %dma_start3A_75 = arith.constant 0 : i32
      %dma_start3A_76 = tpu.memref_slice %arg2[%add3A, %dma_start3A_74, %dma_start3A_75] : memref<32x80x128xi32, #tpu.memory_space<hbm>> -> memref<1x80x128xi32, #tpu.memory_space<hbm>>
      %dma_start3A_77 = tpu.memref_squeeze %dma_start3A_76 : memref<1x80x128xi32, #tpu.memory_space<hbm>> -> memref<80x128xi32, #tpu.memory_space<hbm>>
      tpu.enqueue_dma source(%dma_start3A_77 : memref<80x128xi32, #tpu.memory_space<hbm>>) target(%arg6 : memref<80x128xi32, #tpu.memory_space<vmem>>) target_semaphore(%run_scoped3A : memref<!tpu.dma_semaphore, #tpu.memory_space<semaphore_mem>>)
      %dma_wait3A = arith.constant 0 : i32
      %dma_wait3A_78 = arith.constant 0 : i32
      %dma_wait3A_79 = tpu.memref_slice %arg2[%add3A, %dma_wait3A, %dma_wait3A_78] : memref<32x80x128xi32, #tpu.memory_space<hbm>> -> memref<1x80x128xi32, #tpu.memory_space<hbm>>
      %dma_wait3A_80 = tpu.memref_squeeze %dma_wait3A_79 : memref<1x80x128xi32, #tpu.memory_space<hbm>> -> memref<80x128xi32, #tpu.memory_space<hbm>>
      %dma_wait3A_81 = arith.constant 0 : i32
      %dma_wait3A_82 = arith.constant 0 : i32
      %dma_wait3A_83 = tpu.memref_slice %arg2[%add3A, %dma_wait3A_81, %dma_wait3A_82] : memref<32x80x128xi32, #tpu.memory_space<hbm>> -> memref<1x80x128xi32, #tpu.memory_space<hbm>>
      %dma_wait3A_84 = tpu.memref_squeeze %dma_wait3A_83 : memref<1x80x128xi32, #tpu.memory_space<hbm>> -> memref<80x128xi32, #tpu.memory_space<hbm>>
      tpu.wait_dma2 semaphore(%run_scoped3A : memref<!tpu.dma_semaphore, #tpu.memory_space<semaphore_mem>>) src(%dma_wait3A_84 : memref<80x128xi32, #tpu.memory_space<hbm>>) dst(%arg6 : memref<80x128xi32, #tpu.memory_space<vmem>>)
      tpu.yield
    }) : () -> ()
    %barrier3A = arith.constant 0 : index
    tpu.barrier barrier_id(%barrier3A)
    %dma_start3A = arith.constant 0 : i32
    %dma_start3A_5 = arith.constant 0 : i32
    %dma_start3A_6 = tpu.memref_slice %arg6[%dma_start3A, %dma_start3A_5] : memref<80x128xi32, #tpu.memory_space<vmem>> -> memref<1x128xi32, #tpu.memory_space<vmem>>
    %dma_start3A_7 = tpu.memref_squeeze %dma_start3A_6 : memref<1x128xi32, #tpu.memory_space<vmem>> -> memref<128xi32, #tpu.memory_space<vmem>>
    %dma_start3A_8 = arith.constant 0 : i32
    %dma_start3A_9 = arith.constant 0 : i32
    %dma_start3A_10 = tpu.memref_slice %arg8[%dma_start3A_8, %dma_start3A_9] : memref<10112x128xf32, #tpu.memory_space<vmem_shared>> -> memref<10112x128xf32, #tpu.memory_space<vmem_shared>>
    tpu.enqueue_indirect_dma source(%arg7 : memref<128x128xf32, #tpu.memory_space<vmem>>) target(%dma_start3A_10 : memref<10112x128xf32, #tpu.memory_space<vmem_shared>>) offsets(%dma_start3A_7 : memref<128xi32, #tpu.memory_space<vmem>>) semaphore(%arg9 : memref<!tpu.dma_semaphore, #tpu.memory_space<semaphore_mem>>) {add = true}
    %dma_start3A_11 = arith.constant 1 : i32
    %dma_start3A_12 = arith.constant 0 : i32
    %dma_start3A_13 = tpu.memref_slice %arg6[%dma_start3A_11, %dma_start3A_12] : memref<80x128xi32, #tpu.memory_space<vmem>> -> memref<1x128xi32, #tpu.memory_space<vmem>>
    %dma_start3A_14 = tpu.memref_squeeze %dma_start3A_13 : memref<1x128xi32, #tpu.memory_space<vmem>> -> memref<128xi32, #tpu.memory_space<vmem>>
    %dma_start3A_15 = arith.constant 0 : i32
    %dma_start3A_16 = arith.constant 0 : i32
    %dma_start3A_17 = tpu.memref_slice %arg8[%dma_start3A_15, %dma_start3A_16] : memref<10112x128xf32, #tpu.memory_space<vmem_shared>> -> memref<10112x128xf32, #tpu.memory_space<vmem_shared>>
    tpu.enqueue_indirect_dma source(%arg7 : memref<128x128xf32, #tpu.memory_space<vmem>>) target(%dma_start3A_17 : memref<10112x128xf32, #tpu.memory_space<vmem_shared>>) offsets(%dma_start3A_14 : memref<128xi32, #tpu.memory_space<vmem>>) semaphore(%arg9 : memref<!tpu.dma_semaphore, #tpu.memory_space<semaphore_mem>>) {add = true}
    %dma_start3A_18 = arith.constant 2 : i32
    %dma_start3A_19 = arith.constant 0 : i32
    %dma_start3A_20 = tpu.memref_slice %arg6[%dma_start3A_18, %dma_start3A_19] : memref<80x128xi32, #tpu.memory_space<vmem>> -> memref<1x128xi32, #tpu.memory_space<vmem>>
    %dma_start3A_21 = tpu.memref_squeeze %dma_start3A_20 : memref<1x128xi32, #tpu.memory_space<vmem>> -> memref<128xi32, #tpu.memory_space<vmem>>
    %dma_start3A_22 = arith.constant 0 : i32
    %dma_start3A_23 = arith.constant 0 : i32
    %dma_start3A_24 = tpu.memref_slice %arg8[%dma_start3A_22, %dma_start3A_23] : memref<10112x128xf32, #tpu.memory_space<vmem_shared>> -> memref<10112x128xf32, #tpu.memory_space<vmem_shared>>
    tpu.enqueue_indirect_dma source(%arg7 : memref<128x128xf32, #tpu.memory_space<vmem>>) target(%dma_start3A_24 : memref<10112x128xf32, #tpu.memory_space<vmem_shared>>) offsets(%dma_start3A_21 : memref<128xi32, #tpu.memory_space<vmem>>) semaphore(%arg9 : memref<!tpu.dma_semaphore, #tpu.memory_space<semaphore_mem>>) {add = true}
    %dma_start3A_25 = arith.constant 3 : i32
    %dma_start3A_26 = arith.constant 0 : i32
    %dma_start3A_27 = tpu.memref_slice %arg6[%dma_start3A_25, %dma_start3A_26] : memref<80x128xi32, #tpu.memory_space<vmem>> -> memref<1x128xi32, #tpu.memory_space<vmem>>
    %dma_start3A_28 = tpu.memref_squeeze %dma_start3A_27 : memref<1x128xi32, #tpu.memory_space<vmem>> -> memref<128xi32, #tpu.memory_space<vmem>>
    %dma_start3A_29 = arith.constant 0 : i32
    %dma_start3A_30 = arith.constant 0 : i32
    %dma_start3A_31 = tpu.memref_slice %arg8[%dma_start3A_29, %dma_start3A_30] : memref<10112x128xf32, #tpu.memory_space<vmem_shared>> -> memref<10112x128xf32, #tpu.memory_space<vmem_shared>>
    tpu.enqueue_indirect_dma source(%arg7 : memref<128x128xf32, #tpu.memory_space<vmem>>) target(%dma_start3A_31 : memref<10112x128xf32, #tpu.memory_space<vmem_shared>>) offsets(%dma_start3A_28 : memref<128xi32, #tpu.memory_space<vmem>>) semaphore(%arg9 : memref<!tpu.dma_semaphore, #tpu.memory_space<semaphore_mem>>) {add = true}
    %dma_start3A_32 = arith.constant 4 : i32
    %dma_start3A_33 = arith.constant 0 : i32
    %dma_start3A_34 = tpu.memref_slice %arg6[%dma_start3A_32, %dma_start3A_33] : memref<80x128xi32, #tpu.memory_space<vmem>> -> memref<1x128xi32, #tpu.memory_space<vmem>>
    %dma_start3A_35 = tpu.memref_squeeze %dma_start3A_34 : memref<1x128xi32, #tpu.memory_space<vmem>> -> memref<128xi32, #tpu.memory_space<vmem>>
    %dma_start3A_36 = arith.constant 0 : i32
    %dma_start3A_37 = arith.constant 0 : i32
    %dma_start3A_38 = tpu.memref_slice %arg8[%dma_start3A_36, %dma_start3A_37] : memref<10112x128xf32, #tpu.memory_space<vmem_shared>> -> memref<10112x128xf32, #tpu.memory_space<vmem_shared>>
    tpu.enqueue_indirect_dma source(%arg7 : memref<128x128xf32, #tpu.memory_space<vmem>>) target(%dma_start3A_38 : memref<10112x128xf32, #tpu.memory_space<vmem_shared>>) offsets(%dma_start3A_35 : memref<128xi32, #tpu.memory_space<vmem>>) semaphore(%arg9 : memref<!tpu.dma_semaphore, #tpu.memory_space<semaphore_mem>>) {add = true}
    %dma_start3A_39 = arith.constant 5 : i32
    %dma_start3A_40 = arith.constant 0 : i32
    %dma_start3A_41 = tpu.memref_slice %arg6[%dma_start3A_39, %dma_start3A_40] : memref<80x128xi32, #tpu.memory_space<vmem>> -> memref<1x128xi32, #tpu.memory_space<vmem>>
    %dma_start3A_42 = tpu.memref_squeeze %dma_start3A_41 : memref<1x128xi32, #tpu.memory_space<vmem>> -> memref<128xi32, #tpu.memory_space<vmem>>
    %dma_start3A_43 = arith.constant 0 : i32
    %dma_start3A_44 = arith.constant 0 : i32
    %dma_start3A_45 = tpu.memref_slice %arg8[%dma_start3A_43, %dma_start3A_44] : memref<10112x128xf32, #tpu.memory_space<vmem_shared>> -> memref<10112x128xf32, #tpu.memory_space<vmem_shared>>
    tpu.enqueue_indirect_dma source(%arg7 : memref<128x128xf32, #tpu.memory_space<vmem>>) target(%dma_start3A_45 : memref<10112x128xf32, #tpu.memory_space<vmem_shared>>) offsets(%dma_start3A_42 : memref<128xi32, #tpu.memory_space<vmem>>) semaphore(%arg9 : memref<!tpu.dma_semaphore, #tpu.memory_space<semaphore_mem>>) {add = true}
    %dma_start3A_46 = arith.constant 6 : i32
    %dma_start3A_47 = arith.constant 0 : i32
    %dma_start3A_48 = tpu.memref_slice %arg6[%dma_start3A_46, %dma_start3A_47] : memref<80x128xi32, #tpu.memory_space<vmem>> -> memref<1x128xi32, #tpu.memory_space<vmem>>
    %dma_start3A_49 = tpu.memref_squeeze %dma_start3A_48 : memref<1x128xi32, #tpu.memory_space<vmem>> -> memref<128xi32, #tpu.memory_space<vmem>>
    %dma_start3A_50 = arith.constant 0 : i32
    %dma_start3A_51 = arith.constant 0 : i32
    %dma_start3A_52 = tpu.memref_slice %arg8[%dma_start3A_50, %dma_start3A_51] : memref<10112x128xf32, #tpu.memory_space<vmem_shared>> -> memref<10112x128xf32, #tpu.memory_space<vmem_shared>>
    tpu.enqueue_indirect_dma source(%arg7 : memref<128x128xf32, #tpu.memory_space<vmem>>) target(%dma_start3A_52 : memref<10112x128xf32, #tpu.memory_space<vmem_shared>>) offsets(%dma_start3A_49 : memref<128xi32, #tpu.memory_space<vmem>>) semaphore(%arg9 : memref<!tpu.dma_semaphore, #tpu.memory_space<semaphore_mem>>) {add = true}
    %dma_start3A_53 = arith.constant 7 : i32
    %dma_start3A_54 = arith.constant 0 : i32
    %dma_start3A_55 = tpu.memref_slice %arg6[%dma_start3A_53, %dma_start3A_54] : memref<80x128xi32, #tpu.memory_space<vmem>> -> memref<1x128xi32, #tpu.memory_space<vmem>>
    %dma_start3A_56 = tpu.memref_squeeze %dma_start3A_55 : memref<1x128xi32, #tpu.memory_space<vmem>> -> memref<128xi32, #tpu.memory_space<vmem>>
    %dma_start3A_57 = arith.constant 0 : i32
    %dma_start3A_58 = arith.constant 0 : i32
    %dma_start3A_59 = tpu.memref_slice %arg8[%dma_start3A_57, %dma_start3A_58] : memref<10112x128xf32, #tpu.memory_space<vmem_shared>> -> memref<10112x128xf32, #tpu.memory_space<vmem_shared>>
    tpu.enqueue_indirect_dma source(%arg7 : memref<128x128xf32, #tpu.memory_space<vmem>>) target(%dma_start3A_59 : memref<10112x128xf32, #tpu.memory_space<vmem_shared>>) offsets(%dma_start3A_56 : memref<128xi32, #tpu.memory_space<vmem>>) semaphore(%arg9 : memref<!tpu.dma_semaphore, #tpu.memory_space<semaphore_mem>>) {add = true}
    %scan3A = arith.constant 0 : i32
    %scan3A_60 = arith.constant 0 : i32
    %scan3A_61 = arith.constant 80 : i32
    %scan3A_62 = arith.addi %scan3A_60, %scan3A_61 : i32
    %scan3A_63 = arith.constant 1 : i32
    scf.for %scan3A_70 = %scan3A_60 to %scan3A_62 step %scan3A_63  : i32 {
      %dma_wait3A = arith.constant 0 : i32
      %dma_wait3A_71 = tpu.memref_slice %arg6[%scan3A_70, %dma_wait3A] : memref<80x128xi32, #tpu.memory_space<vmem>> -> memref<1x128xi32, #tpu.memory_space<vmem>>
      %dma_wait3A_72 = tpu.memref_squeeze %dma_wait3A_71 : memref<1x128xi32, #tpu.memory_space<vmem>> -> memref<128xi32, #tpu.memory_space<vmem>>
      %dma_wait3A_73 = arith.constant 0 : i32
      %dma_wait3A_74 = arith.constant 0 : i32
      %dma_wait3A_75 = tpu.memref_slice %arg8[%dma_wait3A_73, %dma_wait3A_74] : memref<10112x128xf32, #tpu.memory_space<vmem_shared>> -> memref<10112x128xf32, #tpu.memory_space<vmem_shared>>
      tpu.wait_indirect_dma semaphore(%arg9 : memref<!tpu.dma_semaphore, #tpu.memory_space<semaphore_mem>>) src(%arg7 : memref<128x128xf32, #tpu.memory_space<vmem>>) dst(%dma_wait3A_75 : memref<10112x128xf32, #tpu.memory_space<vmem_shared>>)
      %add3A_76 = arith.constant 8 : i32
      %add3A_77 = arith.addi %scan3A_70, %add3A_76 : i32
      %lt3A = arith.constant 80 : i32
      %lt3A_78 = arith.cmpi slt, %add3A_77, %lt3A : i32
      %convert_element_type3A = arith.extui %lt3A_78 : i1 to i32
      %cond3A = arith.constant 0 : i32
      %cond3A_79 = arith.cmpi ne, %convert_element_type3A, %cond3A : i32
      scf.if %cond3A_79 {
        %add3A_80 = arith.constant 8 : i32
        %add3A_81 = arith.addi %scan3A_70, %add3A_80 : i32
        %dma_start3A_82 = arith.constant 0 : i32
        %dma_start3A_83 = tpu.memref_slice %arg6[%add3A_81, %dma_start3A_82] : memref<80x128xi32, #tpu.memory_space<vmem>> -> memref<1x128xi32, #tpu.memory_space<vmem>>
        %dma_start3A_84 = tpu.memref_squeeze %dma_start3A_83 : memref<1x128xi32, #tpu.memory_space<vmem>> -> memref<128xi32, #tpu.memory_space<vmem>>
        %dma_start3A_85 = arith.constant 0 : i32
        %dma_start3A_86 = arith.constant 0 : i32
        %dma_start3A_87 = tpu.memref_slice %arg8[%dma_start3A_85, %dma_start3A_86] : memref<10112x128xf32, #tpu.memory_space<vmem_shared>> -> memref<10112x128xf32, #tpu.memory_space<vmem_shared>>
        tpu.enqueue_indirect_dma source(%arg7 : memref<128x128xf32, #tpu.memory_space<vmem>>) target(%dma_start3A_87 : memref<10112x128xf32, #tpu.memory_space<vmem_shared>>) offsets(%dma_start3A_84 : memref<128xi32, #tpu.memory_space<vmem>>) semaphore(%arg9 : memref<!tpu.dma_semaphore, #tpu.memory_space<semaphore_mem>>) {add = true}
      } else {
      }
    }
    %scan3A_64 = arith.constant 80 : i32
    %barrier3A_65 = arith.constant 0 : index
    tpu.barrier barrier_id(%barrier3A_65)
    %mul3A_66 = arith.constant 632 : i32
    %mul3A_67 = arith.muli %arg1, %mul3A_66 : i32
    %mul3A_68 = arith.constant 632 : i32
    %mul3A_69 = arith.muli %arg1, %mul3A_68 : i32
    "tpu.region"() ({
      %run_scoped3A = tpu.sem_alloc : memref<!tpu.dma_semaphore, #tpu.memory_space<semaphore_mem>>
      %dma_start3A_70 = arith.constant 0 : i32
      %dma_start3A_71 = arith.constant 0 : i32
      %dma_start3A_72 = tpu.memref_slice %arg5[%arg0, %dma_start3A_70, %dma_start3A_71] : memref<2x10112x128xf32, #tpu.memory_space<hbm>> -> memref<1x10112x128xf32, #tpu.memory_space<hbm>>
      %dma_start3A_73 = tpu.memref_squeeze %dma_start3A_72 : memref<1x10112x128xf32, #tpu.memory_space<hbm>> -> memref<10112x128xf32, #tpu.memory_space<hbm>>
      %dma_start3A_74 = arith.constant 0 : i32
      %dma_start3A_75 = tpu.memref_slice %dma_start3A_73[%mul3A_69, %dma_start3A_74] : memref<10112x128xf32, #tpu.memory_space<hbm>> -> memref<632x128xf32, #tpu.memory_space<hbm>>
      %dma_start3A_76 = arith.constant 0 : i32
      %dma_start3A_77 = tpu.memref_slice %arg8[%mul3A_67, %dma_start3A_76] : memref<10112x128xf32, #tpu.memory_space<vmem_shared>> -> memref<632x128xf32, #tpu.memory_space<vmem_shared>>
      tpu.enqueue_dma source(%dma_start3A_77 : memref<632x128xf32, #tpu.memory_space<vmem_shared>>) target(%dma_start3A_75 : memref<632x128xf32, #tpu.memory_space<hbm>>) target_semaphore(%run_scoped3A : memref<!tpu.dma_semaphore, #tpu.memory_space<semaphore_mem>>)
      %dma_wait3A = arith.constant 0 : i32
      %dma_wait3A_78 = arith.constant 0 : i32
      %dma_wait3A_79 = tpu.memref_slice %arg5[%arg0, %dma_wait3A, %dma_wait3A_78] : memref<2x10112x128xf32, #tpu.memory_space<hbm>> -> memref<1x10112x128xf32, #tpu.memory_space<hbm>>
      %dma_wait3A_80 = tpu.memref_squeeze %dma_wait3A_79 : memref<1x10112x128xf32, #tpu.memory_space<hbm>> -> memref<10112x128xf32, #tpu.memory_space<hbm>>
      %dma_wait3A_81 = arith.constant 0 : i32
      %dma_wait3A_82 = tpu.memref_slice %dma_wait3A_80[%mul3A_69, %dma_wait3A_81] : memref<10112x128xf32, #tpu.memory_space<hbm>> -> memref<632x128xf32, #tpu.memory_space<hbm>>
      %dma_wait3A_83 = arith.constant 0 : i32
      %dma_wait3A_84 = tpu.memref_slice %arg8[%mul3A_67, %dma_wait3A_83] : memref<10112x128xf32, #tpu.memory_space<vmem_shared>> -> memref<632x128xf32, #tpu.memory_space<vmem_shared>>
      tpu.wait_dma2 semaphore(%run_scoped3A : memref<!tpu.dma_semaphore, #tpu.memory_space<semaphore_mem>>) src(%dma_wait3A_84 : memref<632x128xf32, #tpu.memory_space<vmem_shared>>) dst(%dma_wait3A_82 : memref<632x128xf32, #tpu.memory_space<hbm>>)
      tpu.yield
    }) : () -> ()
    return
  }
}

#map = affine_map<(d0, d1) -> (0, 0)>
#map1 = affine_map<(d0, d1) -> (0, 0, 0)>
module attributes {stable_mosaic.version = 14 : i64} {
  func.func @_scat_body(%arg0: i32, %arg1: i32, %arg2: memref<10000x128xf32, #tpu.memory_space<hbm>>, %arg3: memref<32x80x128xi32, #tpu.memory_space<hbm>>, %arg4: memref<32x80x128xi32, #tpu.memory_space<hbm>>, %arg5: memref<10112x128xf32, #tpu.memory_space<hbm>>, %arg6: memref<2x10112x128xf32, #tpu.memory_space<hbm>>, %arg7: memref<40x128xi32, #tpu.memory_space<vmem>>, %arg8: memref<40x128xi32, #tpu.memory_space<vmem>>, %arg9: memref<2x128x128xf32, #tpu.memory_space<vmem>>, %arg10: memref<10112x128xf32, #tpu.memory_space<vmem_shared>>, %arg11: memref<!tpu.dma_semaphore, #tpu.memory_space<semaphore_mem>>, %arg12: memref<!tpu.dma_semaphore, #tpu.memory_space<semaphore_mem>>) attributes {dimension_semantics = [#tpu.dimension_semantics<core_parallel>, #tpu.dimension_semantics<subcore_parallel>], iteration_bounds = array<i64: 2, 16>, scalar_prefetch = 0 : i64, scratch_operands = 6 : i64, tpu.core_type = #tpu.core_type<sc_vector_subcore>, window_params = [{transform_indices = #map}, {transform_indices = #map1}, {transform_indices = #map1}, {transform_indices = #map}, {transform_indices = #map1}]} {
    %mul3A = arith.constant 16 : i32
    %mul3A_0 = arith.muli %arg0, %mul3A : i32
    %add3A = arith.addi %mul3A_0, %arg1 : i32
    "tpu.region"() ({
      %run_scoped3A = tpu.sem_alloc : memref<!tpu.dma_semaphore, #tpu.memory_space<semaphore_mem>>
      %dma_start3A_68 = arith.constant 0 : i32
      %dma_start3A_69 = arith.constant 0 : i32
      %dma_start3A_70 = tpu.memref_slice %arg3[%add3A, %dma_start3A_68, %dma_start3A_69] : memref<32x80x128xi32, #tpu.memory_space<hbm>> -> memref<1x40x128xi32, #tpu.memory_space<hbm>>
      %dma_start3A_71 = tpu.memref_squeeze %dma_start3A_70 : memref<1x40x128xi32, #tpu.memory_space<hbm>> -> memref<40x128xi32, #tpu.memory_space<hbm>>
      %dma_start3A_72 = arith.constant 0 : i32
      %dma_start3A_73 = arith.constant 0 : i32
      %dma_start3A_74 = tpu.memref_slice %arg3[%add3A, %dma_start3A_72, %dma_start3A_73] : memref<32x80x128xi32, #tpu.memory_space<hbm>> -> memref<1x40x128xi32, #tpu.memory_space<hbm>>
      %dma_start3A_75 = tpu.memref_squeeze %dma_start3A_74 : memref<1x40x128xi32, #tpu.memory_space<hbm>> -> memref<40x128xi32, #tpu.memory_space<hbm>>
      tpu.enqueue_dma source(%dma_start3A_75 : memref<40x128xi32, #tpu.memory_space<hbm>>) target(%arg7 : memref<40x128xi32, #tpu.memory_space<vmem>>) target_semaphore(%run_scoped3A : memref<!tpu.dma_semaphore, #tpu.memory_space<semaphore_mem>>)
      %dma_wait3A = arith.constant 0 : i32
      %dma_wait3A_76 = arith.constant 0 : i32
      %dma_wait3A_77 = tpu.memref_slice %arg3[%add3A, %dma_wait3A, %dma_wait3A_76] : memref<32x80x128xi32, #tpu.memory_space<hbm>> -> memref<1x40x128xi32, #tpu.memory_space<hbm>>
      %dma_wait3A_78 = tpu.memref_squeeze %dma_wait3A_77 : memref<1x40x128xi32, #tpu.memory_space<hbm>> -> memref<40x128xi32, #tpu.memory_space<hbm>>
      %dma_wait3A_79 = arith.constant 0 : i32
      %dma_wait3A_80 = arith.constant 0 : i32
      %dma_wait3A_81 = tpu.memref_slice %arg3[%add3A, %dma_wait3A_79, %dma_wait3A_80] : memref<32x80x128xi32, #tpu.memory_space<hbm>> -> memref<1x40x128xi32, #tpu.memory_space<hbm>>
      %dma_wait3A_82 = tpu.memref_squeeze %dma_wait3A_81 : memref<1x40x128xi32, #tpu.memory_space<hbm>> -> memref<40x128xi32, #tpu.memory_space<hbm>>
      tpu.wait_dma2 semaphore(%run_scoped3A : memref<!tpu.dma_semaphore, #tpu.memory_space<semaphore_mem>>) src(%dma_wait3A_82 : memref<40x128xi32, #tpu.memory_space<hbm>>) dst(%arg7 : memref<40x128xi32, #tpu.memory_space<vmem>>)
      tpu.yield
    }) : () -> ()
    "tpu.region"() ({
      %run_scoped3A = tpu.sem_alloc : memref<!tpu.dma_semaphore, #tpu.memory_space<semaphore_mem>>
      %dma_start3A_68 = arith.constant 0 : i32
      %dma_start3A_69 = arith.constant 0 : i32
      %dma_start3A_70 = tpu.memref_slice %arg4[%add3A, %dma_start3A_68, %dma_start3A_69] : memref<32x80x128xi32, #tpu.memory_space<hbm>> -> memref<1x40x128xi32, #tpu.memory_space<hbm>>
      %dma_start3A_71 = tpu.memref_squeeze %dma_start3A_70 : memref<1x40x128xi32, #tpu.memory_space<hbm>> -> memref<40x128xi32, #tpu.memory_space<hbm>>
      %dma_start3A_72 = arith.constant 0 : i32
      %dma_start3A_73 = arith.constant 0 : i32
      %dma_start3A_74 = tpu.memref_slice %arg4[%add3A, %dma_start3A_72, %dma_start3A_73] : memref<32x80x128xi32, #tpu.memory_space<hbm>> -> memref<1x40x128xi32, #tpu.memory_space<hbm>>
      %dma_start3A_75 = tpu.memref_squeeze %dma_start3A_74 : memref<1x40x128xi32, #tpu.memory_space<hbm>> -> memref<40x128xi32, #tpu.memory_space<hbm>>
      tpu.enqueue_dma source(%dma_start3A_75 : memref<40x128xi32, #tpu.memory_space<hbm>>) target(%arg8 : memref<40x128xi32, #tpu.memory_space<vmem>>) target_semaphore(%run_scoped3A : memref<!tpu.dma_semaphore, #tpu.memory_space<semaphore_mem>>)
      %dma_wait3A = arith.constant 0 : i32
      %dma_wait3A_76 = arith.constant 0 : i32
      %dma_wait3A_77 = tpu.memref_slice %arg4[%add3A, %dma_wait3A, %dma_wait3A_76] : memref<32x80x128xi32, #tpu.memory_space<hbm>> -> memref<1x40x128xi32, #tpu.memory_space<hbm>>
      %dma_wait3A_78 = tpu.memref_squeeze %dma_wait3A_77 : memref<1x40x128xi32, #tpu.memory_space<hbm>> -> memref<40x128xi32, #tpu.memory_space<hbm>>
      %dma_wait3A_79 = arith.constant 0 : i32
      %dma_wait3A_80 = arith.constant 0 : i32
      %dma_wait3A_81 = tpu.memref_slice %arg4[%add3A, %dma_wait3A_79, %dma_wait3A_80] : memref<32x80x128xi32, #tpu.memory_space<hbm>> -> memref<1x40x128xi32, #tpu.memory_space<hbm>>
      %dma_wait3A_82 = tpu.memref_squeeze %dma_wait3A_81 : memref<1x40x128xi32, #tpu.memory_space<hbm>> -> memref<40x128xi32, #tpu.memory_space<hbm>>
      tpu.wait_dma2 semaphore(%run_scoped3A : memref<!tpu.dma_semaphore, #tpu.memory_space<semaphore_mem>>) src(%dma_wait3A_82 : memref<40x128xi32, #tpu.memory_space<hbm>>) dst(%arg8 : memref<40x128xi32, #tpu.memory_space<vmem>>)
      tpu.yield
    }) : () -> ()
    %dma_start3A = arith.constant 0 : i32
    %dma_start3A_1 = arith.constant 0 : i32
    %dma_start3A_2 = arith.constant 0 : i32
    %dma_start3A_3 = arith.constant 0 : i32
    %dma_start3A_4 = tpu.memref_slice %arg9[%dma_start3A_1, %dma_start3A_2, %dma_start3A_3] : memref<2x128x128xf32, #tpu.memory_space<vmem>> -> memref<1x128x128xf32, #tpu.memory_space<vmem>>
    %dma_start3A_5 = tpu.memref_squeeze %dma_start3A_4 : memref<1x128x128xf32, #tpu.memory_space<vmem>> -> memref<128x128xf32, #tpu.memory_space<vmem>>
    %dma_start3A_6 = arith.constant 0 : i32
    %dma_start3A_7 = tpu.memref_slice %arg7[%dma_start3A, %dma_start3A_6] : memref<40x128xi32, #tpu.memory_space<vmem>> -> memref<1x128xi32, #tpu.memory_space<vmem>>
    %dma_start3A_8 = tpu.memref_squeeze %dma_start3A_7 : memref<1x128xi32, #tpu.memory_space<vmem>> -> memref<128xi32, #tpu.memory_space<vmem>>
    %dma_start3A_9 = arith.constant 0 : i32
    %dma_start3A_10 = arith.constant 0 : i32
    %dma_start3A_11 = tpu.memref_slice %arg2[%dma_start3A_9, %dma_start3A_10] : memref<10000x128xf32, #tpu.memory_space<hbm>> -> memref<10000x128xf32, #tpu.memory_space<hbm>>
    tpu.enqueue_indirect_dma source(%dma_start3A_11 : memref<10000x128xf32, #tpu.memory_space<hbm>>) target(%dma_start3A_5 : memref<128x128xf32, #tpu.memory_space<vmem>>) offsets(%dma_start3A_8 : memref<128xi32, #tpu.memory_space<vmem>>) semaphore(%arg11 : memref<!tpu.dma_semaphore, #tpu.memory_space<semaphore_mem>>)
    %dma_start3A_12 = arith.constant 1 : i32
    %dma_start3A_13 = arith.constant 1 : i32
    %dma_start3A_14 = arith.constant 0 : i32
    %dma_start3A_15 = arith.constant 0 : i32
    %dma_start3A_16 = tpu.memref_slice %arg9[%dma_start3A_13, %dma_start3A_14, %dma_start3A_15] : memref<2x128x128xf32, #tpu.memory_space<vmem>> -> memref<1x128x128xf32, #tpu.memory_space<vmem>>
    %dma_start3A_17 = tpu.memref_squeeze %dma_start3A_16 : memref<1x128x128xf32, #tpu.memory_space<vmem>> -> memref<128x128xf32, #tpu.memory_space<vmem>>
    %dma_start3A_18 = arith.constant 0 : i32
    %dma_start3A_19 = tpu.memref_slice %arg7[%dma_start3A_12, %dma_start3A_18] : memref<40x128xi32, #tpu.memory_space<vmem>> -> memref<1x128xi32, #tpu.memory_space<vmem>>
    %dma_start3A_20 = tpu.memref_squeeze %dma_start3A_19 : memref<1x128xi32, #tpu.memory_space<vmem>> -> memref<128xi32, #tpu.memory_space<vmem>>
    %dma_start3A_21 = arith.constant 0 : i32
    %dma_start3A_22 = arith.constant 0 : i32
    %dma_start3A_23 = tpu.memref_slice %arg2[%dma_start3A_21, %dma_start3A_22] : memref<10000x128xf32, #tpu.memory_space<hbm>> -> memref<10000x128xf32, #tpu.memory_space<hbm>>
    tpu.enqueue_indirect_dma source(%dma_start3A_23 : memref<10000x128xf32, #tpu.memory_space<hbm>>) target(%dma_start3A_17 : memref<128x128xf32, #tpu.memory_space<vmem>>) offsets(%dma_start3A_20 : memref<128xi32, #tpu.memory_space<vmem>>) semaphore(%arg12 : memref<!tpu.dma_semaphore, #tpu.memory_space<semaphore_mem>>)
    %mul3A_24 = arith.constant 632 : i32
    %mul3A_25 = arith.muli %arg1, %mul3A_24 : i32
    %mul3A_26 = arith.constant 632 : i32
    %mul3A_27 = arith.muli %arg1, %mul3A_26 : i32
    "tpu.region"() ({
      %run_scoped3A = tpu.sem_alloc : memref<!tpu.dma_semaphore, #tpu.memory_space<semaphore_mem>>
      %dma_start3A_68 = arith.constant 0 : i32
      %dma_start3A_69 = tpu.memref_slice %arg10[%mul3A_27, %dma_start3A_68] : memref<10112x128xf32, #tpu.memory_space<vmem_shared>> -> memref<632x128xf32, #tpu.memory_space<vmem_shared>>
      %dma_start3A_70 = arith.constant 0 : i32
      %dma_start3A_71 = tpu.memref_slice %arg5[%mul3A_25, %dma_start3A_70] : memref<10112x128xf32, #tpu.memory_space<hbm>> -> memref<632x128xf32, #tpu.memory_space<hbm>>
      tpu.enqueue_dma source(%dma_start3A_71 : memref<632x128xf32, #tpu.memory_space<hbm>>) target(%dma_start3A_69 : memref<632x128xf32, #tpu.memory_space<vmem_shared>>) target_semaphore(%run_scoped3A : memref<!tpu.dma_semaphore, #tpu.memory_space<semaphore_mem>>)
      %dma_wait3A = arith.constant 0 : i32
      %dma_wait3A_72 = tpu.memref_slice %arg10[%mul3A_27, %dma_wait3A] : memref<10112x128xf32, #tpu.memory_space<vmem_shared>> -> memref<632x128xf32, #tpu.memory_space<vmem_shared>>
      %dma_wait3A_73 = arith.constant 0 : i32
      %dma_wait3A_74 = tpu.memref_slice %arg5[%mul3A_25, %dma_wait3A_73] : memref<10112x128xf32, #tpu.memory_space<hbm>> -> memref<632x128xf32, #tpu.memory_space<hbm>>
      tpu.wait_dma2 semaphore(%run_scoped3A : memref<!tpu.dma_semaphore, #tpu.memory_space<semaphore_mem>>) src(%dma_wait3A_74 : memref<632x128xf32, #tpu.memory_space<hbm>>) dst(%dma_wait3A_72 : memref<632x128xf32, #tpu.memory_space<vmem_shared>>)
      tpu.yield
    }) : () -> ()
    %barrier3A = arith.constant 0 : index
    tpu.barrier barrier_id(%barrier3A)
    %scan3A = arith.constant 0 : i32
    %scan3A_28 = arith.constant 0 : i32
    %scan3A_29 = arith.constant 20 : i32
    %scan3A_30 = arith.addi %scan3A_28, %scan3A_29 : i32
    %scan3A_31 = arith.constant 1 : i32
    scf.for %scan3A_68 = %scan3A_28 to %scan3A_30 step %scan3A_31  : i32 {
      %mul3A_69 = arith.constant 2 : i32
      %mul3A_70 = arith.muli %scan3A_68, %mul3A_69 : i32
      %add3A_71 = arith.constant 0 : i32
      %add3A_72 = arith.addi %mul3A_70, %add3A_71 : i32
      %dma_wait3A = arith.constant 0 : i32
      %dma_wait3A_73 = arith.constant 0 : i32
      %dma_wait3A_74 = arith.constant 0 : i32
      %dma_wait3A_75 = tpu.memref_slice %arg9[%dma_wait3A, %dma_wait3A_73, %dma_wait3A_74] : memref<2x128x128xf32, #tpu.memory_space<vmem>> -> memref<1x128x128xf32, #tpu.memory_space<vmem>>
      %dma_wait3A_76 = tpu.memref_squeeze %dma_wait3A_75 : memref<1x128x128xf32, #tpu.memory_space<vmem>> -> memref<128x128xf32, #tpu.memory_space<vmem>>
      %dma_wait3A_77 = arith.constant 0 : i32
      %dma_wait3A_78 = tpu.memref_slice %arg7[%add3A_72, %dma_wait3A_77] : memref<40x128xi32, #tpu.memory_space<vmem>> -> memref<1x128xi32, #tpu.memory_space<vmem>>
      %dma_wait3A_79 = tpu.memref_squeeze %dma_wait3A_78 : memref<1x128xi32, #tpu.memory_space<vmem>> -> memref<128xi32, #tpu.memory_space<vmem>>
      %dma_wait3A_80 = arith.constant 0 : i32
      %dma_wait3A_81 = arith.constant 0 : i32
      %dma_wait3A_82 = tpu.memref_slice %arg2[%dma_wait3A_80, %dma_wait3A_81] : memref<10000x128xf32, #tpu.memory_space<hbm>> -> memref<10000x128xf32, #tpu.memory_space<hbm>>
      tpu.wait_indirect_dma semaphore(%arg11 : memref<!tpu.dma_semaphore, #tpu.memory_space<semaphore_mem>>) src(%dma_wait3A_82 : memref<10000x128xf32, #tpu.memory_space<hbm>>) dst(%dma_wait3A_76 : memref<128x128xf32, #tpu.memory_space<vmem>>)
      %run_scoped3A = arith.constant 0 : i32
      "tpu.region"() ({
        %run_scoped3A_110 = tpu.sem_alloc : memref<!tpu.dma_semaphore, #tpu.memory_space<semaphore_mem>>
        %dma_start3A_111 = arith.constant 0 : i32
        %dma_start3A_112 = arith.constant 0 : i32
        %dma_start3A_113 = tpu.memref_slice %arg9[%run_scoped3A, %dma_start3A_111, %dma_start3A_112] : memref<2x128x128xf32, #tpu.memory_space<vmem>> -> memref<1x128x128xf32, #tpu.memory_space<vmem>>
        %dma_start3A_114 = tpu.memref_squeeze %dma_start3A_113 : memref<1x128x128xf32, #tpu.memory_space<vmem>> -> memref<128x128xf32, #tpu.memory_space<vmem>>
        %dma_start3A_115 = arith.constant 0 : i32
        %dma_start3A_116 = tpu.memref_slice %arg8[%add3A_72, %dma_start3A_115] : memref<40x128xi32, #tpu.memory_space<vmem>> -> memref<1x128xi32, #tpu.memory_space<vmem>>
        %dma_start3A_117 = tpu.memref_squeeze %dma_start3A_116 : memref<1x128xi32, #tpu.memory_space<vmem>> -> memref<128xi32, #tpu.memory_space<vmem>>
        %dma_start3A_118 = arith.constant 0 : i32
        %dma_start3A_119 = arith.constant 0 : i32
        %dma_start3A_120 = tpu.memref_slice %arg10[%dma_start3A_118, %dma_start3A_119] : memref<10112x128xf32, #tpu.memory_space<vmem_shared>> -> memref<10112x128xf32, #tpu.memory_space<vmem_shared>>
        tpu.enqueue_indirect_dma source(%dma_start3A_114 : memref<128x128xf32, #tpu.memory_space<vmem>>) target(%dma_start3A_120 : memref<10112x128xf32, #tpu.memory_space<vmem_shared>>) offsets(%dma_start3A_117 : memref<128xi32, #tpu.memory_space<vmem>>) semaphore(%run_scoped3A_110 : memref<!tpu.dma_semaphore, #tpu.memory_space<semaphore_mem>>) {add = true}
        %dma_wait3A_121 = arith.constant 0 : i32
        %dma_wait3A_122 = arith.constant 0 : i32
        %dma_wait3A_123 = tpu.memref_slice %arg9[%run_scoped3A, %dma_wait3A_121, %dma_wait3A_122] : memref<2x128x128xf32, #tpu.memory_space<vmem>> -> memref<1x128x128xf32, #tpu.memory_space<vmem>>
        %dma_wait3A_124 = tpu.memref_squeeze %dma_wait3A_123 : memref<1x128x128xf32, #tpu.memory_space<vmem>> -> memref<128x128xf32, #tpu.memory_space<vmem>>
        %dma_wait3A_125 = arith.constant 0 : i32
        %dma_wait3A_126 = tpu.memref_slice %arg8[%add3A_72, %dma_wait3A_125] : memref<40x128xi32, #tpu.memory_space<vmem>> -> memref<1x128xi32, #tpu.memory_space<vmem>>
        %dma_wait3A_127 = tpu.memref_squeeze %dma_wait3A_126 : memref<1x128xi32, #tpu.memory_space<vmem>> -> memref<128xi32, #tpu.memory_space<vmem>>
        %dma_wait3A_128 = arith.constant 0 : i32
        %dma_wait3A_129 = arith.constant 0 : i32
        %dma_wait3A_130 = tpu.memref_slice %arg10[%dma_wait3A_128, %dma_wait3A_129] : memref<10112x128xf32, #tpu.memory_space<vmem_shared>> -> memref<10112x128xf32, #tpu.memory_space<vmem_shared>>
        tpu.wait_indirect_dma semaphore(%run_scoped3A_110 : memref<!tpu.dma_semaphore, #tpu.memory_space<semaphore_mem>>) src(%dma_wait3A_124 : memref<128x128xf32, #tpu.memory_space<vmem>>) dst(%dma_wait3A_130 : memref<10112x128xf32, #tpu.memory_space<vmem_shared>>)
        tpu.yield
      }) : () -> ()
      %add3A_83 = arith.constant 2 : i32
      %add3A_84 = arith.addi %add3A_72, %add3A_83 : i32
      %lt3A = arith.constant 40 : i32
      %lt3A_85 = arith.cmpi slt, %add3A_84, %lt3A : i32
      %convert_element_type3A = arith.extui %lt3A_85 : i1 to i32
      %cond3A = arith.constant 0 : i32
      %cond3A_86 = arith.cmpi ne, %convert_element_type3A, %cond3A : i32
      scf.if %cond3A_86 {
        %add3A_110 = arith.constant 2 : i32
        %add3A_111 = arith.addi %add3A_72, %add3A_110 : i32
        %dma_start3A_112 = arith.constant 0 : i32
        %dma_start3A_113 = arith.constant 0 : i32
        %dma_start3A_114 = arith.constant 0 : i32
        %dma_start3A_115 = tpu.memref_slice %arg9[%dma_start3A_112, %dma_start3A_113, %dma_start3A_114] : memref<2x128x128xf32, #tpu.memory_space<vmem>> -> memref<1x128x128xf32, #tpu.memory_space<vmem>>
        %dma_start3A_116 = tpu.memref_squeeze %dma_start3A_115 : memref<1x128x128xf32, #tpu.memory_space<vmem>> -> memref<128x128xf32, #tpu.memory_space<vmem>>
        %dma_start3A_117 = arith.constant 0 : i32
        %dma_start3A_118 = tpu.memref_slice %arg7[%add3A_111, %dma_start3A_117] : memref<40x128xi32, #tpu.memory_space<vmem>> -> memref<1x128xi32, #tpu.memory_space<vmem>>
        %dma_start3A_119 = tpu.memref_squeeze %dma_start3A_118 : memref<1x128xi32, #tpu.memory_space<vmem>> -> memref<128xi32, #tpu.memory_space<vmem>>
        %dma_start3A_120 = arith.constant 0 : i32
        %dma_start3A_121 = arith.constant 0 : i32
        %dma_start3A_122 = tpu.memref_slice %arg2[%dma_start3A_120, %dma_start3A_121] : memref<10000x128xf32, #tpu.memory_space<hbm>> -> memref<10000x128xf32, #tpu.memory_space<hbm>>
        tpu.enqueue_indirect_dma source(%dma_start3A_122 : memref<10000x128xf32, #tpu.memory_space<hbm>>) target(%dma_start3A_116 : memref<128x128xf32, #tpu.memory_space<vmem>>) offsets(%dma_start3A_119 : memref<128xi32, #tpu.memory_space<vmem>>) semaphore(%arg11 : memref<!tpu.dma_semaphore, #tpu.memory_space<semaphore_mem>>)
      } else {
      }
      %mul3A_87 = arith.constant 2 : i32
      %mul3A_88 = arith.muli %scan3A_68, %mul3A_87 : i32
      %add3A_89 = arith.constant 1 : i32
      %add3A_90 = arith.addi %mul3A_88, %add3A_89 : i32
      %dma_wait3A_91 = arith.constant 1 : i32
      %dma_wait3A_92 = arith.constant 0 : i32
      %dma_wait3A_93 = arith.constant 0 : i32
      %dma_wait3A_94 = tpu.memref_slice %arg9[%dma_wait3A_91, %dma_wait3A_92, %dma_wait3A_93] : memref<2x128x128xf32, #tpu.memory_space<vmem>> -> memref<1x128x128xf32, #tpu.memory_space<vmem>>
      %dma_wait3A_95 = tpu.memref_squeeze %dma_wait3A_94 : memref<1x128x128xf32, #tpu.memory_space<vmem>> -> memref<128x128xf32, #tpu.memory_space<vmem>>
      %dma_wait3A_96 = arith.constant 0 : i32
      %dma_wait3A_97 = tpu.memref_slice %arg7[%add3A_90, %dma_wait3A_96] : memref<40x128xi32, #tpu.memory_space<vmem>> -> memref<1x128xi32, #tpu.memory_space<vmem>>
      %dma_wait3A_98 = tpu.memref_squeeze %dma_wait3A_97 : memref<1x128xi32, #tpu.memory_space<vmem>> -> memref<128xi32, #tpu.memory_space<vmem>>
      %dma_wait3A_99 = arith.constant 0 : i32
      %dma_wait3A_100 = arith.constant 0 : i32
      %dma_wait3A_101 = tpu.memref_slice %arg2[%dma_wait3A_99, %dma_wait3A_100] : memref<10000x128xf32, #tpu.memory_space<hbm>> -> memref<10000x128xf32, #tpu.memory_space<hbm>>
      tpu.wait_indirect_dma semaphore(%arg12 : memref<!tpu.dma_semaphore, #tpu.memory_space<semaphore_mem>>) src(%dma_wait3A_101 : memref<10000x128xf32, #tpu.memory_space<hbm>>) dst(%dma_wait3A_95 : memref<128x128xf32, #tpu.memory_space<vmem>>)
      %run_scoped3A_102 = arith.constant 1 : i32
      "tpu.region"() ({
        %run_scoped3A_110 = tpu.sem_alloc : memref<!tpu.dma_semaphore, #tpu.memory_space<semaphore_mem>>
        %dma_start3A_111 = arith.constant 0 : i32
        %dma_start3A_112 = arith.constant 0 : i32
        %dma_start3A_113 = tpu.memref_slice %arg9[%run_scoped3A_102, %dma_start3A_111, %dma_start3A_112] : memref<2x128x128xf32, #tpu.memory_space<vmem>> -> memref<1x128x128xf32, #tpu.memory_space<vmem>>
        %dma_start3A_114 = tpu.memref_squeeze %dma_start3A_113 : memref<1x128x128xf32, #tpu.memory_space<vmem>> -> memref<128x128xf32, #tpu.memory_space<vmem>>
        %dma_start3A_115 = arith.constant 0 : i32
        %dma_start3A_116 = tpu.memref_slice %arg8[%add3A_90, %dma_start3A_115] : memref<40x128xi32, #tpu.memory_space<vmem>> -> memref<1x128xi32, #tpu.memory_space<vmem>>
        %dma_start3A_117 = tpu.memref_squeeze %dma_start3A_116 : memref<1x128xi32, #tpu.memory_space<vmem>> -> memref<128xi32, #tpu.memory_space<vmem>>
        %dma_start3A_118 = arith.constant 0 : i32
        %dma_start3A_119 = arith.constant 0 : i32
        %dma_start3A_120 = tpu.memref_slice %arg10[%dma_start3A_118, %dma_start3A_119] : memref<10112x128xf32, #tpu.memory_space<vmem_shared>> -> memref<10112x128xf32, #tpu.memory_space<vmem_shared>>
        tpu.enqueue_indirect_dma source(%dma_start3A_114 : memref<128x128xf32, #tpu.memory_space<vmem>>) target(%dma_start3A_120 : memref<10112x128xf32, #tpu.memory_space<vmem_shared>>) offsets(%dma_start3A_117 : memref<128xi32, #tpu.memory_space<vmem>>) semaphore(%run_scoped3A_110 : memref<!tpu.dma_semaphore, #tpu.memory_space<semaphore_mem>>) {add = true}
        %dma_wait3A_121 = arith.constant 0 : i32
        %dma_wait3A_122 = arith.constant 0 : i32
        %dma_wait3A_123 = tpu.memref_slice %arg9[%run_scoped3A_102, %dma_wait3A_121, %dma_wait3A_122] : memref<2x128x128xf32, #tpu.memory_space<vmem>> -> memref<1x128x128xf32, #tpu.memory_space<vmem>>
        %dma_wait3A_124 = tpu.memref_squeeze %dma_wait3A_123 : memref<1x128x128xf32, #tpu.memory_space<vmem>> -> memref<128x128xf32, #tpu.memory_space<vmem>>
        %dma_wait3A_125 = arith.constant 0 : i32
        %dma_wait3A_126 = tpu.memref_slice %arg8[%add3A_90, %dma_wait3A_125] : memref<40x128xi32, #tpu.memory_space<vmem>> -> memref<1x128xi32, #tpu.memory_space<vmem>>
        %dma_wait3A_127 = tpu.memref_squeeze %dma_wait3A_126 : memref<1x128xi32, #tpu.memory_space<vmem>> -> memref<128xi32, #tpu.memory_space<vmem>>
        %dma_wait3A_128 = arith.constant 0 : i32
        %dma_wait3A_129 = arith.constant 0 : i32
        %dma_wait3A_130 = tpu.memref_slice %arg10[%dma_wait3A_128, %dma_wait3A_129] : memref<10112x128xf32, #tpu.memory_space<vmem_shared>> -> memref<10112x128xf32, #tpu.memory_space<vmem_shared>>
        tpu.wait_indirect_dma semaphore(%run_scoped3A_110 : memref<!tpu.dma_semaphore, #tpu.memory_space<semaphore_mem>>) src(%dma_wait3A_124 : memref<128x128xf32, #tpu.memory_space<vmem>>) dst(%dma_wait3A_130 : memref<10112x128xf32, #tpu.memory_space<vmem_shared>>)
        tpu.yield
      }) : () -> ()
      %add3A_103 = arith.constant 2 : i32
      %add3A_104 = arith.addi %add3A_90, %add3A_103 : i32
      %lt3A_105 = arith.constant 40 : i32
      %lt3A_106 = arith.cmpi slt, %add3A_104, %lt3A_105 : i32
      %convert_element_type3A_107 = arith.extui %lt3A_106 : i1 to i32
      %cond3A_108 = arith.constant 0 : i32
      %cond3A_109 = arith.cmpi ne, %convert_element_type3A_107, %cond3A_108 : i32
      scf.if %cond3A_109 {
        %add3A_110 = arith.constant 2 : i32
        %add3A_111 = arith.addi %add3A_90, %add3A_110 : i32
        %dma_start3A_112 = arith.constant 1 : i32
        %dma_start3A_113 = arith.constant 0 : i32
        %dma_start3A_114 = arith.constant 0 : i32
        %dma_start3A_115 = tpu.memref_slice %arg9[%dma_start3A_112, %dma_start3A_113, %dma_start3A_114] : memref<2x128x128xf32, #tpu.memory_space<vmem>> -> memref<1x128x128xf32, #tpu.memory_space<vmem>>
        %dma_start3A_116 = tpu.memref_squeeze %dma_start3A_115 : memref<1x128x128xf32, #tpu.memory_space<vmem>> -> memref<128x128xf32, #tpu.memory_space<vmem>>
        %dma_start3A_117 = arith.constant 0 : i32
        %dma_start3A_118 = tpu.memref_slice %arg7[%add3A_111, %dma_start3A_117] : memref<40x128xi32, #tpu.memory_space<vmem>> -> memref<1x128xi32, #tpu.memory_space<vmem>>
        %dma_start3A_119 = tpu.memref_squeeze %dma_start3A_118 : memref<1x128xi32, #tpu.memory_space<vmem>> -> memref<128xi32, #tpu.memory_space<vmem>>
        %dma_start3A_120 = arith.constant 0 : i32
        %dma_start3A_121 = arith.constant 0 : i32
        %dma_start3A_122 = tpu.memref_slice %arg2[%dma_start3A_120, %dma_start3A_121] : memref<10000x128xf32, #tpu.memory_space<hbm>> -> memref<10000x128xf32, #tpu.memory_space<hbm>>
        tpu.enqueue_indirect_dma source(%dma_start3A_122 : memref<10000x128xf32, #tpu.memory_space<hbm>>) target(%dma_start3A_116 : memref<128x128xf32, #tpu.memory_space<vmem>>) offsets(%dma_start3A_119 : memref<128xi32, #tpu.memory_space<vmem>>) semaphore(%arg12 : memref<!tpu.dma_semaphore, #tpu.memory_space<semaphore_mem>>)
      } else {
      }
    }
    %scan3A_32 = arith.constant 20 : i32
    "tpu.region"() ({
      %run_scoped3A = tpu.sem_alloc : memref<!tpu.dma_semaphore, #tpu.memory_space<semaphore_mem>>
      %dma_start3A_68 = arith.constant 40 : i32
      %dma_start3A_69 = arith.constant 0 : i32
      %dma_start3A_70 = tpu.memref_slice %arg3[%add3A, %dma_start3A_68, %dma_start3A_69] : memref<32x80x128xi32, #tpu.memory_space<hbm>> -> memref<1x40x128xi32, #tpu.memory_space<hbm>>
      %dma_start3A_71 = tpu.memref_squeeze %dma_start3A_70 : memref<1x40x128xi32, #tpu.memory_space<hbm>> -> memref<40x128xi32, #tpu.memory_space<hbm>>
      %dma_start3A_72 = arith.constant 40 : i32
      %dma_start3A_73 = arith.constant 0 : i32
      %dma_start3A_74 = tpu.memref_slice %arg3[%add3A, %dma_start3A_72, %dma_start3A_73] : memref<32x80x128xi32, #tpu.memory_space<hbm>> -> memref<1x40x128xi32, #tpu.memory_space<hbm>>
      %dma_start3A_75 = tpu.memref_squeeze %dma_start3A_74 : memref<1x40x128xi32, #tpu.memory_space<hbm>> -> memref<40x128xi32, #tpu.memory_space<hbm>>
      tpu.enqueue_dma source(%dma_start3A_75 : memref<40x128xi32, #tpu.memory_space<hbm>>) target(%arg7 : memref<40x128xi32, #tpu.memory_space<vmem>>) target_semaphore(%run_scoped3A : memref<!tpu.dma_semaphore, #tpu.memory_space<semaphore_mem>>)
      %dma_wait3A = arith.constant 40 : i32
      %dma_wait3A_76 = arith.constant 0 : i32
      %dma_wait3A_77 = tpu.memref_slice %arg3[%add3A, %dma_wait3A, %dma_wait3A_76] : memref<32x80x128xi32, #tpu.memory_space<hbm>> -> memref<1x40x128xi32, #tpu.memory_space<hbm>>
      %dma_wait3A_78 = tpu.memref_squeeze %dma_wait3A_77 : memref<1x40x128xi32, #tpu.memory_space<hbm>> -> memref<40x128xi32, #tpu.memory_space<hbm>>
      %dma_wait3A_79 = arith.constant 40 : i32
      %dma_wait3A_80 = arith.constant 0 : i32
      %dma_wait3A_81 = tpu.memref_slice %arg3[%add3A, %dma_wait3A_79, %dma_wait3A_80] : memref<32x80x128xi32, #tpu.memory_space<hbm>> -> memref<1x40x128xi32, #tpu.memory_space<hbm>>
      %dma_wait3A_82 = tpu.memref_squeeze %dma_wait3A_81 : memref<1x40x128xi32, #tpu.memory_space<hbm>> -> memref<40x128xi32, #tpu.memory_space<hbm>>
      tpu.wait_dma2 semaphore(%run_scoped3A : memref<!tpu.dma_semaphore, #tpu.memory_space<semaphore_mem>>) src(%dma_wait3A_82 : memref<40x128xi32, #tpu.memory_space<hbm>>) dst(%arg7 : memref<40x128xi32, #tpu.memory_space<vmem>>)
      tpu.yield
    }) : () -> ()
    "tpu.region"() ({
      %run_scoped3A = tpu.sem_alloc : memref<!tpu.dma_semaphore, #tpu.memory_space<semaphore_mem>>
      %dma_start3A_68 = arith.constant 40 : i32
      %dma_start3A_69 = arith.constant 0 : i32
      %dma_start3A_70 = tpu.memref_slice %arg4[%add3A, %dma_start3A_68, %dma_start3A_69] : memref<32x80x128xi32, #tpu.memory_space<hbm>> -> memref<1x40x128xi32, #tpu.memory_space<hbm>>
      %dma_start3A_71 = tpu.memref_squeeze %dma_start3A_70 : memref<1x40x128xi32, #tpu.memory_space<hbm>> -> memref<40x128xi32, #tpu.memory_space<hbm>>
      %dma_start3A_72 = arith.constant 40 : i32
      %dma_start3A_73 = arith.constant 0 : i32
      %dma_start3A_74 = tpu.memref_slice %arg4[%add3A, %dma_start3A_72, %dma_start3A_73] : memref<32x80x128xi32, #tpu.memory_space<hbm>> -> memref<1x40x128xi32, #tpu.memory_space<hbm>>
      %dma_start3A_75 = tpu.memref_squeeze %dma_start3A_74 : memref<1x40x128xi32, #tpu.memory_space<hbm>> -> memref<40x128xi32, #tpu.memory_space<hbm>>
      tpu.enqueue_dma source(%dma_start3A_75 : memref<40x128xi32, #tpu.memory_space<hbm>>) target(%arg8 : memref<40x128xi32, #tpu.memory_space<vmem>>) target_semaphore(%run_scoped3A : memref<!tpu.dma_semaphore, #tpu.memory_space<semaphore_mem>>)
      %dma_wait3A = arith.constant 40 : i32
      %dma_wait3A_76 = arith.constant 0 : i32
      %dma_wait3A_77 = tpu.memref_slice %arg4[%add3A, %dma_wait3A, %dma_wait3A_76] : memref<32x80x128xi32, #tpu.memory_space<hbm>> -> memref<1x40x128xi32, #tpu.memory_space<hbm>>
      %dma_wait3A_78 = tpu.memref_squeeze %dma_wait3A_77 : memref<1x40x128xi32, #tpu.memory_space<hbm>> -> memref<40x128xi32, #tpu.memory_space<hbm>>
      %dma_wait3A_79 = arith.constant 40 : i32
      %dma_wait3A_80 = arith.constant 0 : i32
      %dma_wait3A_81 = tpu.memref_slice %arg4[%add3A, %dma_wait3A_79, %dma_wait3A_80] : memref<32x80x128xi32, #tpu.memory_space<hbm>> -> memref<1x40x128xi32, #tpu.memory_space<hbm>>
      %dma_wait3A_82 = tpu.memref_squeeze %dma_wait3A_81 : memref<1x40x128xi32, #tpu.memory_space<hbm>> -> memref<40x128xi32, #tpu.memory_space<hbm>>
      tpu.wait_dma2 semaphore(%run_scoped3A : memref<!tpu.dma_semaphore, #tpu.memory_space<semaphore_mem>>) src(%dma_wait3A_82 : memref<40x128xi32, #tpu.memory_space<hbm>>) dst(%arg8 : memref<40x128xi32, #tpu.memory_space<vmem>>)
      tpu.yield
    }) : () -> ()
    %dma_start3A_33 = arith.constant 0 : i32
    %dma_start3A_34 = arith.constant 0 : i32
    %dma_start3A_35 = arith.constant 0 : i32
    %dma_start3A_36 = arith.constant 0 : i32
    %dma_start3A_37 = tpu.memref_slice %arg9[%dma_start3A_34, %dma_start3A_35, %dma_start3A_36] : memref<2x128x128xf32, #tpu.memory_space<vmem>> -> memref<1x128x128xf32, #tpu.memory_space<vmem>>
    %dma_start3A_38 = tpu.memref_squeeze %dma_start3A_37 : memref<1x128x128xf32, #tpu.memory_space<vmem>> -> memref<128x128xf32, #tpu.memory_space<vmem>>
    %dma_start3A_39 = arith.constant 0 : i32
    %dma_start3A_40 = tpu.memref_slice %arg7[%dma_start3A_33, %dma_start3A_39] : memref<40x128xi32, #tpu.memory_space<vmem>> -> memref<1x128xi32, #tpu.memory_space<vmem>>
    %dma_start3A_41 = tpu.memref_squeeze %dma_start3A_40 : memref<1x128xi32, #tpu.memory_space<vmem>> -> memref<128xi32, #tpu.memory_space<vmem>>
    %dma_start3A_42 = arith.constant 0 : i32
    %dma_start3A_43 = arith.constant 0 : i32
    %dma_start3A_44 = tpu.memref_slice %arg2[%dma_start3A_42, %dma_start3A_43] : memref<10000x128xf32, #tpu.memory_space<hbm>> -> memref<10000x128xf32, #tpu.memory_space<hbm>>
    tpu.enqueue_indirect_dma source(%dma_start3A_44 : memref<10000x128xf32, #tpu.memory_space<hbm>>) target(%dma_start3A_38 : memref<128x128xf32, #tpu.memory_space<vmem>>) offsets(%dma_start3A_41 : memref<128xi32, #tpu.memory_space<vmem>>) semaphore(%arg11 : memref<!tpu.dma_semaphore, #tpu.memory_space<semaphore_mem>>)
    %dma_start3A_45 = arith.constant 1 : i32
    %dma_start3A_46 = arith.constant 1 : i32
    %dma_start3A_47 = arith.constant 0 : i32
    %dma_start3A_48 = arith.constant 0 : i32
    %dma_start3A_49 = tpu.memref_slice %arg9[%dma_start3A_46, %dma_start3A_47, %dma_start3A_48] : memref<2x128x128xf32, #tpu.memory_space<vmem>> -> memref<1x128x128xf32, #tpu.memory_space<vmem>>
    %dma_start3A_50 = tpu.memref_squeeze %dma_start3A_49 : memref<1x128x128xf32, #tpu.memory_space<vmem>> -> memref<128x128xf32, #tpu.memory_space<vmem>>
    %dma_start3A_51 = arith.constant 0 : i32
    %dma_start3A_52 = tpu.memref_slice %arg7[%dma_start3A_45, %dma_start3A_51] : memref<40x128xi32, #tpu.memory_space<vmem>> -> memref<1x128xi32, #tpu.memory_space<vmem>>
    %dma_start3A_53 = tpu.memref_squeeze %dma_start3A_52 : memref<1x128xi32, #tpu.memory_space<vmem>> -> memref<128xi32, #tpu.memory_space<vmem>>
    %dma_start3A_54 = arith.constant 0 : i32
    %dma_start3A_55 = arith.constant 0 : i32
    %dma_start3A_56 = tpu.memref_slice %arg2[%dma_start3A_54, %dma_start3A_55] : memref<10000x128xf32, #tpu.memory_space<hbm>> -> memref<10000x128xf32, #tpu.memory_space<hbm>>
    tpu.enqueue_indirect_dma source(%dma_start3A_56 : memref<10000x128xf32, #tpu.memory_space<hbm>>) target(%dma_start3A_50 : memref<128x128xf32, #tpu.memory_space<vmem>>) offsets(%dma_start3A_53 : memref<128xi32, #tpu.memory_space<vmem>>) semaphore(%arg12 : memref<!tpu.dma_semaphore, #tpu.memory_space<semaphore_mem>>)
    %scan3A_57 = arith.constant 0 : i32
    %scan3A_58 = arith.constant 0 : i32
    %scan3A_59 = arith.constant 20 : i32
    %scan3A_60 = arith.addi %scan3A_58, %scan3A_59 : i32
    %scan3A_61 = arith.constant 1 : i32
    scf.for %scan3A_68 = %scan3A_58 to %scan3A_60 step %scan3A_61  : i32 {
      %mul3A_69 = arith.constant 2 : i32
      %mul3A_70 = arith.muli %scan3A_68, %mul3A_69 : i32
      %add3A_71 = arith.constant 0 : i32
      %add3A_72 = arith.addi %mul3A_70, %add3A_71 : i32
      %dma_wait3A = arith.constant 0 : i32
      %dma_wait3A_73 = arith.constant 0 : i32
      %dma_wait3A_74 = arith.constant 0 : i32
      %dma_wait3A_75 = tpu.memref_slice %arg9[%dma_wait3A, %dma_wait3A_73, %dma_wait3A_74] : memref<2x128x128xf32, #tpu.memory_space<vmem>> -> memref<1x128x128xf32, #tpu.memory_space<vmem>>
      %dma_wait3A_76 = tpu.memref_squeeze %dma_wait3A_75 : memref<1x128x128xf32, #tpu.memory_space<vmem>> -> memref<128x128xf32, #tpu.memory_space<vmem>>
      %dma_wait3A_77 = arith.constant 0 : i32
      %dma_wait3A_78 = tpu.memref_slice %arg7[%add3A_72, %dma_wait3A_77] : memref<40x128xi32, #tpu.memory_space<vmem>> -> memref<1x128xi32, #tpu.memory_space<vmem>>
      %dma_wait3A_79 = tpu.memref_squeeze %dma_wait3A_78 : memref<1x128xi32, #tpu.memory_space<vmem>> -> memref<128xi32, #tpu.memory_space<vmem>>
      %dma_wait3A_80 = arith.constant 0 : i32
      %dma_wait3A_81 = arith.constant 0 : i32
      %dma_wait3A_82 = tpu.memref_slice %arg2[%dma_wait3A_80, %dma_wait3A_81] : memref<10000x128xf32, #tpu.memory_space<hbm>> -> memref<10000x128xf32, #tpu.memory_space<hbm>>
      tpu.wait_indirect_dma semaphore(%arg11 : memref<!tpu.dma_semaphore, #tpu.memory_space<semaphore_mem>>) src(%dma_wait3A_82 : memref<10000x128xf32, #tpu.memory_space<hbm>>) dst(%dma_wait3A_76 : memref<128x128xf32, #tpu.memory_space<vmem>>)
      %run_scoped3A = arith.constant 0 : i32
      "tpu.region"() ({
        %run_scoped3A_110 = tpu.sem_alloc : memref<!tpu.dma_semaphore, #tpu.memory_space<semaphore_mem>>
        %dma_start3A_111 = arith.constant 0 : i32
        %dma_start3A_112 = arith.constant 0 : i32
        %dma_start3A_113 = tpu.memref_slice %arg9[%run_scoped3A, %dma_start3A_111, %dma_start3A_112] : memref<2x128x128xf32, #tpu.memory_space<vmem>> -> memref<1x128x128xf32, #tpu.memory_space<vmem>>
        %dma_start3A_114 = tpu.memref_squeeze %dma_start3A_113 : memref<1x128x128xf32, #tpu.memory_space<vmem>> -> memref<128x128xf32, #tpu.memory_space<vmem>>
        %dma_start3A_115 = arith.constant 0 : i32
        %dma_start3A_116 = tpu.memref_slice %arg8[%add3A_72, %dma_start3A_115] : memref<40x128xi32, #tpu.memory_space<vmem>> -> memref<1x128xi32, #tpu.memory_space<vmem>>
        %dma_start3A_117 = tpu.memref_squeeze %dma_start3A_116 : memref<1x128xi32, #tpu.memory_space<vmem>> -> memref<128xi32, #tpu.memory_space<vmem>>
        %dma_start3A_118 = arith.constant 0 : i32
        %dma_start3A_119 = arith.constant 0 : i32
        %dma_start3A_120 = tpu.memref_slice %arg10[%dma_start3A_118, %dma_start3A_119] : memref<10112x128xf32, #tpu.memory_space<vmem_shared>> -> memref<10112x128xf32, #tpu.memory_space<vmem_shared>>
        tpu.enqueue_indirect_dma source(%dma_start3A_114 : memref<128x128xf32, #tpu.memory_space<vmem>>) target(%dma_start3A_120 : memref<10112x128xf32, #tpu.memory_space<vmem_shared>>) offsets(%dma_start3A_117 : memref<128xi32, #tpu.memory_space<vmem>>) semaphore(%run_scoped3A_110 : memref<!tpu.dma_semaphore, #tpu.memory_space<semaphore_mem>>) {add = true}
        %dma_wait3A_121 = arith.constant 0 : i32
        %dma_wait3A_122 = arith.constant 0 : i32
        %dma_wait3A_123 = tpu.memref_slice %arg9[%run_scoped3A, %dma_wait3A_121, %dma_wait3A_122] : memref<2x128x128xf32, #tpu.memory_space<vmem>> -> memref<1x128x128xf32, #tpu.memory_space<vmem>>
        %dma_wait3A_124 = tpu.memref_squeeze %dma_wait3A_123 : memref<1x128x128xf32, #tpu.memory_space<vmem>> -> memref<128x128xf32, #tpu.memory_space<vmem>>
        %dma_wait3A_125 = arith.constant 0 : i32
        %dma_wait3A_126 = tpu.memref_slice %arg8[%add3A_72, %dma_wait3A_125] : memref<40x128xi32, #tpu.memory_space<vmem>> -> memref<1x128xi32, #tpu.memory_space<vmem>>
        %dma_wait3A_127 = tpu.memref_squeeze %dma_wait3A_126 : memref<1x128xi32, #tpu.memory_space<vmem>> -> memref<128xi32, #tpu.memory_space<vmem>>
        %dma_wait3A_128 = arith.constant 0 : i32
        %dma_wait3A_129 = arith.constant 0 : i32
        %dma_wait3A_130 = tpu.memref_slice %arg10[%dma_wait3A_128, %dma_wait3A_129] : memref<10112x128xf32, #tpu.memory_space<vmem_shared>> -> memref<10112x128xf32, #tpu.memory_space<vmem_shared>>
        tpu.wait_indirect_dma semaphore(%run_scoped3A_110 : memref<!tpu.dma_semaphore, #tpu.memory_space<semaphore_mem>>) src(%dma_wait3A_124 : memref<128x128xf32, #tpu.memory_space<vmem>>) dst(%dma_wait3A_130 : memref<10112x128xf32, #tpu.memory_space<vmem_shared>>)
        tpu.yield
      }) : () -> ()
      %add3A_83 = arith.constant 2 : i32
      %add3A_84 = arith.addi %add3A_72, %add3A_83 : i32
      %lt3A = arith.constant 40 : i32
      %lt3A_85 = arith.cmpi slt, %add3A_84, %lt3A : i32
      %convert_element_type3A = arith.extui %lt3A_85 : i1 to i32
      %cond3A = arith.constant 0 : i32
      %cond3A_86 = arith.cmpi ne, %convert_element_type3A, %cond3A : i32
      scf.if %cond3A_86 {
        %add3A_110 = arith.constant 2 : i32
        %add3A_111 = arith.addi %add3A_72, %add3A_110 : i32
        %dma_start3A_112 = arith.constant 0 : i32
        %dma_start3A_113 = arith.constant 0 : i32
        %dma_start3A_114 = arith.constant 0 : i32
        %dma_start3A_115 = tpu.memref_slice %arg9[%dma_start3A_112, %dma_start3A_113, %dma_start3A_114] : memref<2x128x128xf32, #tpu.memory_space<vmem>> -> memref<1x128x128xf32, #tpu.memory_space<vmem>>
        %dma_start3A_116 = tpu.memref_squeeze %dma_start3A_115 : memref<1x128x128xf32, #tpu.memory_space<vmem>> -> memref<128x128xf32, #tpu.memory_space<vmem>>
        %dma_start3A_117 = arith.constant 0 : i32
        %dma_start3A_118 = tpu.memref_slice %arg7[%add3A_111, %dma_start3A_117] : memref<40x128xi32, #tpu.memory_space<vmem>> -> memref<1x128xi32, #tpu.memory_space<vmem>>
        %dma_start3A_119 = tpu.memref_squeeze %dma_start3A_118 : memref<1x128xi32, #tpu.memory_space<vmem>> -> memref<128xi32, #tpu.memory_space<vmem>>
        %dma_start3A_120 = arith.constant 0 : i32
        %dma_start3A_121 = arith.constant 0 : i32
        %dma_start3A_122 = tpu.memref_slice %arg2[%dma_start3A_120, %dma_start3A_121] : memref<10000x128xf32, #tpu.memory_space<hbm>> -> memref<10000x128xf32, #tpu.memory_space<hbm>>
        tpu.enqueue_indirect_dma source(%dma_start3A_122 : memref<10000x128xf32, #tpu.memory_space<hbm>>) target(%dma_start3A_116 : memref<128x128xf32, #tpu.memory_space<vmem>>) offsets(%dma_start3A_119 : memref<128xi32, #tpu.memory_space<vmem>>) semaphore(%arg11 : memref<!tpu.dma_semaphore, #tpu.memory_space<semaphore_mem>>)
      } else {
      }
      %mul3A_87 = arith.constant 2 : i32
      %mul3A_88 = arith.muli %scan3A_68, %mul3A_87 : i32
      %add3A_89 = arith.constant 1 : i32
      %add3A_90 = arith.addi %mul3A_88, %add3A_89 : i32
      %dma_wait3A_91 = arith.constant 1 : i32
      %dma_wait3A_92 = arith.constant 0 : i32
      %dma_wait3A_93 = arith.constant 0 : i32
      %dma_wait3A_94 = tpu.memref_slice %arg9[%dma_wait3A_91, %dma_wait3A_92, %dma_wait3A_93] : memref<2x128x128xf32, #tpu.memory_space<vmem>> -> memref<1x128x128xf32, #tpu.memory_space<vmem>>
      %dma_wait3A_95 = tpu.memref_squeeze %dma_wait3A_94 : memref<1x128x128xf32, #tpu.memory_space<vmem>> -> memref<128x128xf32, #tpu.memory_space<vmem>>
      %dma_wait3A_96 = arith.constant 0 : i32
      %dma_wait3A_97 = tpu.memref_slice %arg7[%add3A_90, %dma_wait3A_96] : memref<40x128xi32, #tpu.memory_space<vmem>> -> memref<1x128xi32, #tpu.memory_space<vmem>>
      %dma_wait3A_98 = tpu.memref_squeeze %dma_wait3A_97 : memref<1x128xi32, #tpu.memory_space<vmem>> -> memref<128xi32, #tpu.memory_space<vmem>>
      %dma_wait3A_99 = arith.constant 0 : i32
      %dma_wait3A_100 = arith.constant 0 : i32
      %dma_wait3A_101 = tpu.memref_slice %arg2[%dma_wait3A_99, %dma_wait3A_100] : memref<10000x128xf32, #tpu.memory_space<hbm>> -> memref<10000x128xf32, #tpu.memory_space<hbm>>
      tpu.wait_indirect_dma semaphore(%arg12 : memref<!tpu.dma_semaphore, #tpu.memory_space<semaphore_mem>>) src(%dma_wait3A_101 : memref<10000x128xf32, #tpu.memory_space<hbm>>) dst(%dma_wait3A_95 : memref<128x128xf32, #tpu.memory_space<vmem>>)
      %run_scoped3A_102 = arith.constant 1 : i32
      "tpu.region"() ({
        %run_scoped3A_110 = tpu.sem_alloc : memref<!tpu.dma_semaphore, #tpu.memory_space<semaphore_mem>>
        %dma_start3A_111 = arith.constant 0 : i32
        %dma_start3A_112 = arith.constant 0 : i32
        %dma_start3A_113 = tpu.memref_slice %arg9[%run_scoped3A_102, %dma_start3A_111, %dma_start3A_112] : memref<2x128x128xf32, #tpu.memory_space<vmem>> -> memref<1x128x128xf32, #tpu.memory_space<vmem>>
        %dma_start3A_114 = tpu.memref_squeeze %dma_start3A_113 : memref<1x128x128xf32, #tpu.memory_space<vmem>> -> memref<128x128xf32, #tpu.memory_space<vmem>>
        %dma_start3A_115 = arith.constant 0 : i32
        %dma_start3A_116 = tpu.memref_slice %arg8[%add3A_90, %dma_start3A_115] : memref<40x128xi32, #tpu.memory_space<vmem>> -> memref<1x128xi32, #tpu.memory_space<vmem>>
        %dma_start3A_117 = tpu.memref_squeeze %dma_start3A_116 : memref<1x128xi32, #tpu.memory_space<vmem>> -> memref<128xi32, #tpu.memory_space<vmem>>
        %dma_start3A_118 = arith.constant 0 : i32
        %dma_start3A_119 = arith.constant 0 : i32
        %dma_start3A_120 = tpu.memref_slice %arg10[%dma_start3A_118, %dma_start3A_119] : memref<10112x128xf32, #tpu.memory_space<vmem_shared>> -> memref<10112x128xf32, #tpu.memory_space<vmem_shared>>
        tpu.enqueue_indirect_dma source(%dma_start3A_114 : memref<128x128xf32, #tpu.memory_space<vmem>>) target(%dma_start3A_120 : memref<10112x128xf32, #tpu.memory_space<vmem_shared>>) offsets(%dma_start3A_117 : memref<128xi32, #tpu.memory_space<vmem>>) semaphore(%run_scoped3A_110 : memref<!tpu.dma_semaphore, #tpu.memory_space<semaphore_mem>>) {add = true}
        %dma_wait3A_121 = arith.constant 0 : i32
        %dma_wait3A_122 = arith.constant 0 : i32
        %dma_wait3A_123 = tpu.memref_slice %arg9[%run_scoped3A_102, %dma_wait3A_121, %dma_wait3A_122] : memref<2x128x128xf32, #tpu.memory_space<vmem>> -> memref<1x128x128xf32, #tpu.memory_space<vmem>>
        %dma_wait3A_124 = tpu.memref_squeeze %dma_wait3A_123 : memref<1x128x128xf32, #tpu.memory_space<vmem>> -> memref<128x128xf32, #tpu.memory_space<vmem>>
        %dma_wait3A_125 = arith.constant 0 : i32
        %dma_wait3A_126 = tpu.memref_slice %arg8[%add3A_90, %dma_wait3A_125] : memref<40x128xi32, #tpu.memory_space<vmem>> -> memref<1x128xi32, #tpu.memory_space<vmem>>
        %dma_wait3A_127 = tpu.memref_squeeze %dma_wait3A_126 : memref<1x128xi32, #tpu.memory_space<vmem>> -> memref<128xi32, #tpu.memory_space<vmem>>
        %dma_wait3A_128 = arith.constant 0 : i32
        %dma_wait3A_129 = arith.constant 0 : i32
        %dma_wait3A_130 = tpu.memref_slice %arg10[%dma_wait3A_128, %dma_wait3A_129] : memref<10112x128xf32, #tpu.memory_space<vmem_shared>> -> memref<10112x128xf32, #tpu.memory_space<vmem_shared>>
        tpu.wait_indirect_dma semaphore(%run_scoped3A_110 : memref<!tpu.dma_semaphore, #tpu.memory_space<semaphore_mem>>) src(%dma_wait3A_124 : memref<128x128xf32, #tpu.memory_space<vmem>>) dst(%dma_wait3A_130 : memref<10112x128xf32, #tpu.memory_space<vmem_shared>>)
        tpu.yield
      }) : () -> ()
      %add3A_103 = arith.constant 2 : i32
      %add3A_104 = arith.addi %add3A_90, %add3A_103 : i32
      %lt3A_105 = arith.constant 40 : i32
      %lt3A_106 = arith.cmpi slt, %add3A_104, %lt3A_105 : i32
      %convert_element_type3A_107 = arith.extui %lt3A_106 : i1 to i32
      %cond3A_108 = arith.constant 0 : i32
      %cond3A_109 = arith.cmpi ne, %convert_element_type3A_107, %cond3A_108 : i32
      scf.if %cond3A_109 {
        %add3A_110 = arith.constant 2 : i32
        %add3A_111 = arith.addi %add3A_90, %add3A_110 : i32
        %dma_start3A_112 = arith.constant 1 : i32
        %dma_start3A_113 = arith.constant 0 : i32
        %dma_start3A_114 = arith.constant 0 : i32
        %dma_start3A_115 = tpu.memref_slice %arg9[%dma_start3A_112, %dma_start3A_113, %dma_start3A_114] : memref<2x128x128xf32, #tpu.memory_space<vmem>> -> memref<1x128x128xf32, #tpu.memory_space<vmem>>
        %dma_start3A_116 = tpu.memref_squeeze %dma_start3A_115 : memref<1x128x128xf32, #tpu.memory_space<vmem>> -> memref<128x128xf32, #tpu.memory_space<vmem>>
        %dma_start3A_117 = arith.constant 0 : i32
        %dma_start3A_118 = tpu.memref_slice %arg7[%add3A_111, %dma_start3A_117] : memref<40x128xi32, #tpu.memory_space<vmem>> -> memref<1x128xi32, #tpu.memory_space<vmem>>
        %dma_start3A_119 = tpu.memref_squeeze %dma_start3A_118 : memref<1x128xi32, #tpu.memory_space<vmem>> -> memref<128xi32, #tpu.memory_space<vmem>>
        %dma_start3A_120 = arith.constant 0 : i32
        %dma_start3A_121 = arith.constant 0 : i32
        %dma_start3A_122 = tpu.memref_slice %arg2[%dma_start3A_120, %dma_start3A_121] : memref<10000x128xf32, #tpu.memory_space<hbm>> -> memref<10000x128xf32, #tpu.memory_space<hbm>>
        tpu.enqueue_indirect_dma source(%dma_start3A_122 : memref<10000x128xf32, #tpu.memory_space<hbm>>) target(%dma_start3A_116 : memref<128x128xf32, #tpu.memory_space<vmem>>) offsets(%dma_start3A_119 : memref<128xi32, #tpu.memory_space<vmem>>) semaphore(%arg12 : memref<!tpu.dma_semaphore, #tpu.memory_space<semaphore_mem>>)
      } else {
      }
    }
    %scan3A_62 = arith.constant 20 : i32
    %barrier3A_63 = arith.constant 0 : index
    tpu.barrier barrier_id(%barrier3A_63)
    %mul3A_64 = arith.constant 632 : i32
    %mul3A_65 = arith.muli %arg1, %mul3A_64 : i32
    %mul3A_66 = arith.constant 632 : i32
    %mul3A_67 = arith.muli %arg1, %mul3A_66 : i32
    "tpu.region"() ({
      %run_scoped3A = tpu.sem_alloc : memref<!tpu.dma_semaphore, #tpu.memory_space<semaphore_mem>>
      %dma_start3A_68 = arith.constant 0 : i32
      %dma_start3A_69 = arith.constant 0 : i32
      %dma_start3A_70 = tpu.memref_slice %arg6[%arg0, %dma_start3A_68, %dma_start3A_69] : memref<2x10112x128xf32, #tpu.memory_space<hbm>> -> memref<1x10112x128xf32, #tpu.memory_space<hbm>>
      %dma_start3A_71 = tpu.memref_squeeze %dma_start3A_70 : memref<1x10112x128xf32, #tpu.memory_space<hbm>> -> memref<10112x128xf32, #tpu.memory_space<hbm>>
      %dma_start3A_72 = arith.constant 0 : i32
      %dma_start3A_73 = tpu.memref_slice %dma_start3A_71[%mul3A_67, %dma_start3A_72] : memref<10112x128xf32, #tpu.memory_space<hbm>> -> memref<632x128xf32, #tpu.memory_space<hbm>>
      %dma_start3A_74 = arith.constant 0 : i32
      %dma_start3A_75 = tpu.memref_slice %arg10[%mul3A_65, %dma_start3A_74] : memref<10112x128xf32, #tpu.memory_space<vmem_shared>> -> memref<632x128xf32, #tpu.memory_space<vmem_shared>>
      tpu.enqueue_dma source(%dma_start3A_75 : memref<632x128xf32, #tpu.memory_space<vmem_shared>>) target(%dma_start3A_73 : memref<632x128xf32, #tpu.memory_space<hbm>>) target_semaphore(%run_scoped3A : memref<!tpu.dma_semaphore, #tpu.memory_space<semaphore_mem>>)
      %dma_wait3A = arith.constant 0 : i32
      %dma_wait3A_76 = arith.constant 0 : i32
      %dma_wait3A_77 = tpu.memref_slice %arg6[%arg0, %dma_wait3A, %dma_wait3A_76] : memref<2x10112x128xf32, #tpu.memory_space<hbm>> -> memref<1x10112x128xf32, #tpu.memory_space<hbm>>
      %dma_wait3A_78 = tpu.memref_squeeze %dma_wait3A_77 : memref<1x10112x128xf32, #tpu.memory_space<hbm>> -> memref<10112x128xf32, #tpu.memory_space<hbm>>
      %dma_wait3A_79 = arith.constant 0 : i32
      %dma_wait3A_80 = tpu.memref_slice %dma_wait3A_78[%mul3A_67, %dma_wait3A_79] : memref<10112x128xf32, #tpu.memory_space<hbm>> -> memref<632x128xf32, #tpu.memory_space<hbm>>
      %dma_wait3A_81 = arith.constant 0 : i32
      %dma_wait3A_82 = tpu.memref_slice %arg10[%mul3A_65, %dma_wait3A_81] : memref<10112x128xf32, #tpu.memory_space<vmem_shared>> -> memref<632x128xf32, #tpu.memory_space<vmem_shared>>
      tpu.wait_dma2 semaphore(%run_scoped3A : memref<!tpu.dma_semaphore, #tpu.memory_space<semaphore_mem>>) src(%dma_wait3A_82 : memref<632x128xf32, #tpu.memory_space<vmem_shared>>) dst(%dma_wait3A_80 : memref<632x128xf32, #tpu.memory_space<hbm>>)
      tpu.yield
    }) : () -> ()
    return
  }
}

module attributes {stable_mosaic.version = 14 : i64} {
  func.func @_mm_body(%arg0: i32, %arg1: memref<2000x128xf32, #tpu.memory_space<vmem>>, %arg2: memref<128x128xf32, #tpu.memory_space<vmem>>, %arg3: memref<2000x128xf32, #tpu.memory_space<vmem>>) attributes {dimension_semantics = [#tpu.dimension_semantics<arbitrary>], iteration_bounds = array<i64: 5>, scalar_prefetch = 0 : i64, scratch_operands = 0 : i64, tpu.core_type = #tpu.core_type<tc>, window_params = [{transform_indices = @transform_0, window_bounds = array<i64: 2000, 128>}, {pipeline_mode = #tpu.pipeline_mode<synchronous>, transform_indices = @transform_1, window_bounds = array<i64: 128, 128>}, {transform_indices = @transform_2, window_bounds = array<i64: 2000, 128>}]} {
    %get3A = arith.constant 0 : index
    %get3A_0 = arith.constant 0 : index
    %get3A_1 = vector.load %arg1[%get3A, %get3A_0] : memref<2000x128xf32, #tpu.memory_space<vmem>>, vector<2000x128xf32>
    %get3A_2 = arith.constant 0 : index
    %get3A_3 = arith.constant 0 : index
    %get3A_4 = vector.load %arg2[%get3A_2, %get3A_3] : memref<128x128xf32, #tpu.memory_space<vmem>>, vector<128x128xf32>
    %dot_general3A = arith.constant dense<0.000000e+00> : vector<2000x128xf32>
    %dot_general3A_5 = tpu.matmul %get3A_1, %get3A_4, %dot_general3A {dimension_numbers = #tpu.dot_dimension_numbers<[1], [1], [0], [0], [0, 0, 1, 0], [], []>, transpose_lhs_hint = false} : vector<2000x128xf32>, vector<128x128xf32>, vector<2000x128xf32> -> vector<2000x128xf32>
    %swap3A = arith.constant 0 : index
    %swap3A_6 = arith.constant 0 : index
    %swap3A_7 = vector.load %arg3[%swap3A, %swap3A_6] : memref<2000x128xf32, #tpu.memory_space<vmem>>, vector<2000x128xf32>
    tpu.vector_store %arg3[%swap3A, %swap3A_6], %dot_general3A_5 {strides = array<i32>} : memref<2000x128xf32, #tpu.memory_space<vmem>>, vector<2000x128xf32>,
    return
  }
  func.func @transform_0(%arg0: i32) -> (i32, i32) {
    %c0_i32 = arith.constant 0 : i32
    %c0_i32_0 = arith.constant 0 : i32
    return %arg0, %c0_i32 : i32, i32
  }
  func.func @transform_1(%arg0: i32) -> (i32, i32) {
    %c0_i32 = arith.constant 0 : i32
    %c0_i32_0 = arith.constant 0 : i32
    %c0_i32_1 = arith.constant 0 : i32
    return %c0_i32, %c0_i32_0 : i32, i32
  }
  func.func @transform_2(%arg0: i32) -> (i32, i32) {
    %c0_i32 = arith.constant 0 : i32
    %c0_i32_0 = arith.constant 0 : i32
    return %arg0, %c0_i32 : i32, i32
  }
}

module attributes {stable_mosaic.version = 14 : i64} {
  func.func @_scale_body(%arg0: i32, %arg1: memref<2000x128xf32, #tpu.memory_space<vmem>>, %arg2: memref<2000x1xf32, #tpu.memory_space<vmem>>, %arg3: memref<2000x128xf32, #tpu.memory_space<vmem>>) attributes {dimension_semantics = [#tpu.dimension_semantics<arbitrary>], iteration_bounds = array<i64: 5>, scalar_prefetch = 0 : i64, scratch_operands = 0 : i64, tpu.core_type = #tpu.core_type<tc>, window_params = [{transform_indices = @transform_0, window_bounds = array<i64: 2000, 128>}, {transform_indices = @transform_1, window_bounds = array<i64: 2000, 1>}, {transform_indices = @transform_2, window_bounds = array<i64: 2000, 128>}]} {
    %get3A = arith.constant 0 : index
    %get3A_0 = arith.constant 0 : index
    %get3A_1 = vector.load %arg1[%get3A, %get3A_0] : memref<2000x128xf32, #tpu.memory_space<vmem>>, vector<2000x128xf32>
    %get3A_2 = arith.constant 0 : index
    %get3A_3 = arith.constant 0 : index
    %get3A_4 = vector.load %arg2[%get3A_2, %get3A_3] : memref<2000x1xf32, #tpu.memory_space<vmem>>, vector<2000x1xf32>
    %rsqrt3A = math.rsqrt %get3A_4 : vector<2000x1xf32>
    %mul3A = vector.broadcast %rsqrt3A : vector<2000x1xf32> to vector<2000x128xf32>
    %mul3A_5 = arith.mulf %get3A_1, %mul3A : vector<2000x128xf32>
    %swap3A = arith.constant 0 : index
    %swap3A_6 = arith.constant 0 : index
    %swap3A_7 = vector.load %arg3[%swap3A, %swap3A_6] : memref<2000x128xf32, #tpu.memory_space<vmem>>, vector<2000x128xf32>
    tpu.vector_store %arg3[%swap3A, %swap3A_6], %mul3A_5 {strides = array<i32>} : memref<2000x128xf32, #tpu.memory_space<vmem>>, vector<2000x128xf32>,
    return
  }
  func.func @transform_0(%arg0: i32) -> (i32, i32) {
    %c0_i32 = arith.constant 0 : i32
    %c0_i32_0 = arith.constant 0 : i32
    return %arg0, %c0_i32 : i32, i32
  }
  func.func @transform_1(%arg0: i32) -> (i32, i32) {
    %c0_i32 = arith.constant 0 : i32
    %c0_i32_0 = arith.constant 0 : i32
    return %arg0, %c0_i32 : i32, i32
  }
  func.func @transform_2(%arg0: i32) -> (i32, i32) {
    %c0_i32 = arith.constant 0 : i32
    %c0_i32_0 = arith.constant 0 : i32
    return %arg0, %c0_i32 : i32, i32
  }
}

module attributes {stable_mosaic.version = 14 : i64} {
  func.func @_combine_mm_body(%arg0: i32, %arg1: memref<1x2000x128xf32, #tpu.memory_space<vmem>>, %arg2: memref<1x2000x128xf32, #tpu.memory_space<vmem>>, %arg3: memref<2000x128xf32, #tpu.memory_space<vmem>>, %arg4: memref<2000x1xf32, #tpu.memory_space<vmem>>, %arg5: memref<1x128xf32, #tpu.memory_space<vmem>>, %arg6: memref<128x128xf32, #tpu.memory_space<vmem>>, %arg7: memref<2000x128xf32, #tpu.memory_space<vmem>>) attributes {dimension_semantics = [#tpu.dimension_semantics<arbitrary>], iteration_bounds = array<i64: 5>, scalar_prefetch = 0 : i64, scratch_operands = 0 : i64, tpu.core_type = #tpu.core_type<tc>, window_params = [{transform_indices = @transform_0, window_bounds = array<i64: 1, 2000, 128>}, {transform_indices = @transform_1, window_bounds = array<i64: 1, 2000, 128>}, {transform_indices = @transform_2, window_bounds = array<i64: 2000, 128>}, {transform_indices = @transform_3, window_bounds = array<i64: 2000, 1>}, {pipeline_mode = #tpu.pipeline_mode<synchronous>, transform_indices = @transform_4, window_bounds = array<i64: 1, 128>}, {pipeline_mode = #tpu.pipeline_mode<synchronous>, transform_indices = @transform_5, window_bounds = array<i64: 128, 128>}, {transform_indices = @transform_6, window_bounds = array<i64: 2000, 128>}]} {
    %get3A = arith.constant 0 : index
    %get3A_0 = arith.constant 0 : index
    %get3A_1 = vector.load %arg4[%get3A, %get3A_0] : memref<2000x1xf32, #tpu.memory_space<vmem>>, vector<2000x1xf32>
    %rsqrt3A = math.rsqrt %get3A_1 : vector<2000x1xf32>
    %get3A_2 = arith.constant 0 : index
    %get3A_3 = arith.constant 0 : index
    %get3A_4 = arith.constant 0 : index
    %get3A_5 = vector.load %arg1[%get3A_2, %get3A_3, %get3A_4] : memref<1x2000x128xf32, #tpu.memory_space<vmem>>, vector<1x2000x128xf32>
    %get3A_6 = vector.shape_cast %get3A_5 : vector<1x2000x128xf32> to vector<2000x128xf32>
    %get3A_7 = arith.constant 0 : index
    %get3A_8 = arith.constant 0 : index
    %get3A_9 = arith.constant 0 : index
    %get3A_10 = vector.load %arg2[%get3A_7, %get3A_8, %get3A_9] : memref<1x2000x128xf32, #tpu.memory_space<vmem>>, vector<1x2000x128xf32>
    %get3A_11 = vector.shape_cast %get3A_10 : vector<1x2000x128xf32> to vector<2000x128xf32>
    %add3A = arith.addf %get3A_6, %get3A_11 : vector<2000x128xf32>
    %get3A_12 = arith.constant 0 : index
    %get3A_13 = arith.constant 0 : index
    %get3A_14 = vector.load %arg3[%get3A_12, %get3A_13] : memref<2000x128xf32, #tpu.memory_space<vmem>>, vector<2000x128xf32>
    %add3A_15 = arith.addf %add3A, %get3A_14 : vector<2000x128xf32>
    %mul3A = vector.broadcast %rsqrt3A : vector<2000x1xf32> to vector<2000x128xf32>
    %mul3A_16 = arith.mulf %add3A_15, %mul3A : vector<2000x128xf32>
    %get3A_17 = arith.constant 0 : index
    %get3A_18 = arith.constant 0 : index
    %get3A_19 = vector.load %arg5[%get3A_17, %get3A_18] : memref<1x128xf32, #tpu.memory_space<vmem>>, vector<1x128xf32>
    %add3A_20 = vector.broadcast %get3A_19 : vector<1x128xf32> to vector<2000x128xf32>
    %add3A_21 = arith.addf %mul3A_16, %add3A_20 : vector<2000x128xf32>
    %max3A = arith.constant 0.000000e+00 : f32
    %max3A_22 = vector.broadcast %max3A : f32 to vector<2000x128xf32>
    %max3A_23 = arith.maximumf %add3A_21, %max3A_22 : vector<2000x128xf32>
    %get3A_24 = arith.constant 0 : index
    %get3A_25 = arith.constant 0 : index
    %get3A_26 = vector.load %arg6[%get3A_24, %get3A_25] : memref<128x128xf32, #tpu.memory_space<vmem>>, vector<128x128xf32>
    %dot_general3A = arith.constant dense<0.000000e+00> : vector<2000x128xf32>
    %dot_general3A_27 = tpu.matmul %max3A_23, %get3A_26, %dot_general3A {dimension_numbers = #tpu.dot_dimension_numbers<[1], [1], [0], [0], [0, 0, 1, 0], [], []>, transpose_lhs_hint = false} : vector<2000x128xf32>, vector<128x128xf32>, vector<2000x128xf32> -> vector<2000x128xf32>
    %mul3A_28 = vector.broadcast %rsqrt3A : vector<2000x1xf32> to vector<2000x128xf32>
    %mul3A_29 = arith.mulf %dot_general3A_27, %mul3A_28 : vector<2000x128xf32>
    %swap3A = arith.constant 0 : index
    %swap3A_30 = arith.constant 0 : index
    %swap3A_31 = vector.load %arg7[%swap3A, %swap3A_30] : memref<2000x128xf32, #tpu.memory_space<vmem>>, vector<2000x128xf32>
    tpu.vector_store %arg7[%swap3A, %swap3A_30], %mul3A_29 {strides = array<i32>} : memref<2000x128xf32, #tpu.memory_space<vmem>>, vector<2000x128xf32>,
    return
  }
  func.func @transform_0(%arg0: i32) -> (i32, i32, i32) {
    %c0_i32 = arith.constant 0 : i32
    %c0_i32_0 = arith.constant 0 : i32
    %c0_i32_1 = arith.constant 0 : i32
    return %c0_i32, %arg0, %c0_i32_0 : i32, i32, i32
  }
  func.func @transform_1(%arg0: i32) -> (i32, i32, i32) {
    %c1_i32 = arith.constant 1 : i32
    %c0_i32 = arith.constant 0 : i32
    %c0_i32_0 = arith.constant 0 : i32
    return %c1_i32, %arg0, %c0_i32 : i32, i32, i32
  }
  func.func @transform_2(%arg0: i32) -> (i32, i32) {
    %c0_i32 = arith.constant 0 : i32
    %c0_i32_0 = arith.constant 0 : i32
    return %arg0, %c0_i32 : i32, i32
  }
  func.func @transform_3(%arg0: i32) -> (i32, i32) {
    %c0_i32 = arith.constant 0 : i32
    %c0_i32_0 = arith.constant 0 : i32
    return %arg0, %c0_i32 : i32, i32
  }
  func.func @transform_4(%arg0: i32) -> (i32, i32) {
    %c0_i32 = arith.constant 0 : i32
    %c0_i32_0 = arith.constant 0 : i32
    %c0_i32_1 = arith.constant 0 : i32
    return %c0_i32, %c0_i32_0 : i32, i32
  }
  func.func @transform_5(%arg0: i32) -> (i32, i32) {
    %c0_i32 = arith.constant 0 : i32
    %c0_i32_0 = arith.constant 0 : i32
    %c0_i32_1 = arith.constant 0 : i32
    return %c0_i32, %c0_i32_0 : i32, i32
  }
  func.func @transform_6(%arg0: i32) -> (i32, i32) {
    %c0_i32 = arith.constant 0 : i32
    %c0_i32_0 = arith.constant 0 : i32
    return %arg0, %c0_i32 : i32, i32
  }
}

module attributes {stable_mosaic.version = 14 : i64} {
  func.func @_decode_body(%arg0: i32, %arg1: memref<1x2000x128xf32, #tpu.memory_space<vmem>>, %arg2: memref<1x2000x128xf32, #tpu.memory_space<vmem>>, %arg3: memref<2000x128xf32, #tpu.memory_space<vmem>>, %arg4: memref<2000x1xf32, #tpu.memory_space<vmem>>, %arg5: memref<1x128xf32, #tpu.memory_space<vmem>>, %arg6: memref<128x128xf32, #tpu.memory_space<vmem>>, %arg7: memref<1x128xf32, #tpu.memory_space<vmem>>, %arg8: memref<128x128xf32, #tpu.memory_space<vmem>>, %arg9: memref<1x128xf32, #tpu.memory_space<vmem>>, %arg10: memref<2000x128xf32, #tpu.memory_space<vmem>>) attributes {dimension_semantics = [#tpu.dimension_semantics<arbitrary>], iteration_bounds = array<i64: 5>, scalar_prefetch = 0 : i64, scratch_operands = 0 : i64, tpu.core_type = #tpu.core_type<tc>, window_params = [{transform_indices = @transform_0, window_bounds = array<i64: 1, 2000, 128>}, {transform_indices = @transform_1, window_bounds = array<i64: 1, 2000, 128>}, {transform_indices = @transform_2, window_bounds = array<i64: 2000, 128>}, {transform_indices = @transform_3, window_bounds = array<i64: 2000, 1>}, {pipeline_mode = #tpu.pipeline_mode<synchronous>, transform_indices = @transform_4, window_bounds = array<i64: 1, 128>}, {pipeline_mode = #tpu.pipeline_mode<synchronous>, transform_indices = @transform_5, window_bounds = array<i64: 128, 128>}, {pipeline_mode = #tpu.pipeline_mode<synchronous>, transform_indices = @transform_6, window_bounds = array<i64: 1, 128>}, {pipeline_mode = #tpu.pipeline_mode<synchronous>, transform_indices = @transform_7, window_bounds = array<i64: 128, 128>}, {pipeline_mode = #tpu.pipeline_mode<synchronous>, transform_indices = @transform_8, window_bounds = array<i64: 1, 128>}, {transform_indices = @transform_9, window_bounds = array<i64: 2000, 128>}]} {
    %get3A = arith.constant 0 : index
    %get3A_0 = arith.constant 0 : index
    %get3A_1 = vector.load %arg4[%get3A, %get3A_0] : memref<2000x1xf32, #tpu.memory_space<vmem>>, vector<2000x1xf32>
    %rsqrt3A = math.rsqrt %get3A_1 : vector<2000x1xf32>
    %get3A_2 = arith.constant 0 : index
    %get3A_3 = arith.constant 0 : index
    %get3A_4 = arith.constant 0 : index
    %get3A_5 = vector.load %arg1[%get3A_2, %get3A_3, %get3A_4] : memref<1x2000x128xf32, #tpu.memory_space<vmem>>, vector<1x2000x128xf32>
    %get3A_6 = vector.shape_cast %get3A_5 : vector<1x2000x128xf32> to vector<2000x128xf32>
    %get3A_7 = arith.constant 0 : index
    %get3A_8 = arith.constant 0 : index
    %get3A_9 = arith.constant 0 : index
    %get3A_10 = vector.load %arg2[%get3A_7, %get3A_8, %get3A_9] : memref<1x2000x128xf32, #tpu.memory_space<vmem>>, vector<1x2000x128xf32>
    %get3A_11 = vector.shape_cast %get3A_10 : vector<1x2000x128xf32> to vector<2000x128xf32>
    %add3A = arith.addf %get3A_6, %get3A_11 : vector<2000x128xf32>
    %get3A_12 = arith.constant 0 : index
    %get3A_13 = arith.constant 0 : index
    %get3A_14 = vector.load %arg3[%get3A_12, %get3A_13] : memref<2000x128xf32, #tpu.memory_space<vmem>>, vector<2000x128xf32>
    %add3A_15 = arith.addf %add3A, %get3A_14 : vector<2000x128xf32>
    %mul3A = vector.broadcast %rsqrt3A : vector<2000x1xf32> to vector<2000x128xf32>
    %mul3A_16 = arith.mulf %add3A_15, %mul3A : vector<2000x128xf32>
    %get3A_17 = arith.constant 0 : index
    %get3A_18 = arith.constant 0 : index
    %get3A_19 = vector.load %arg5[%get3A_17, %get3A_18] : memref<1x128xf32, #tpu.memory_space<vmem>>, vector<1x128xf32>
    %add3A_20 = vector.broadcast %get3A_19 : vector<1x128xf32> to vector<2000x128xf32>
    %add3A_21 = arith.addf %mul3A_16, %add3A_20 : vector<2000x128xf32>
    %get3A_22 = arith.constant 0 : index
    %get3A_23 = arith.constant 0 : index
    %get3A_24 = vector.load %arg6[%get3A_22, %get3A_23] : memref<128x128xf32, #tpu.memory_space<vmem>>, vector<128x128xf32>
    %dot_general3A = arith.constant dense<0.000000e+00> : vector<2000x128xf32>
    %dot_general3A_25 = tpu.matmul %add3A_21, %get3A_24, %dot_general3A {dimension_numbers = #tpu.dot_dimension_numbers<[1], [1], [0], [0], [0, 0, 1, 0], [], []>, transpose_lhs_hint = false} : vector<2000x128xf32>, vector<128x128xf32>, vector<2000x128xf32> -> vector<2000x128xf32>
    %get3A_26 = arith.constant 0 : index
    %get3A_27 = arith.constant 0 : index
    %get3A_28 = vector.load %arg7[%get3A_26, %get3A_27] : memref<1x128xf32, #tpu.memory_space<vmem>>, vector<1x128xf32>
    %add3A_29 = vector.broadcast %get3A_28 : vector<1x128xf32> to vector<2000x128xf32>
    %add3A_30 = arith.addf %dot_general3A_25, %add3A_29 : vector<2000x128xf32>
    %max3A = arith.constant 0.000000e+00 : f32
    %max3A_31 = vector.broadcast %max3A : f32 to vector<2000x128xf32>
    %max3A_32 = arith.maximumf %add3A_30, %max3A_31 : vector<2000x128xf32>
    %get3A_33 = arith.constant 0 : index
    %get3A_34 = arith.constant 0 : index
    %get3A_35 = vector.load %arg8[%get3A_33, %get3A_34] : memref<128x128xf32, #tpu.memory_space<vmem>>, vector<128x128xf32>
    %dot_general3A_36 = arith.constant dense<0.000000e+00> : vector<2000x128xf32>
    %dot_general3A_37 = tpu.matmul %max3A_32, %get3A_35, %dot_general3A_36 {dimension_numbers = #tpu.dot_dimension_numbers<[1], [1], [0], [0], [0, 0, 1, 0], [], []>, transpose_lhs_hint = false} : vector<2000x128xf32>, vector<128x128xf32>, vector<2000x128xf32> -> vector<2000x128xf32>
    %get3A_38 = arith.constant 0 : index
    %get3A_39 = arith.constant 0 : index
    %get3A_40 = vector.load %arg9[%get3A_38, %get3A_39] : memref<1x128xf32, #tpu.memory_space<vmem>>, vector<1x128xf32>
    %add3A_41 = vector.broadcast %get3A_40 : vector<1x128xf32> to vector<2000x128xf32>
    %add3A_42 = arith.addf %dot_general3A_37, %add3A_41 : vector<2000x128xf32>
    %swap3A = arith.constant 0 : index
    %swap3A_43 = arith.constant 0 : index
    %swap3A_44 = vector.load %arg10[%swap3A, %swap3A_43] : memref<2000x128xf32, #tpu.memory_space<vmem>>, vector<2000x128xf32>
    tpu.vector_store %arg10[%swap3A, %swap3A_43], %add3A_42 {strides = array<i32>} : memref<2000x128xf32, #tpu.memory_space<vmem>>, vector<2000x128xf32>,
    return
  }
  func.func @transform_0(%arg0: i32) -> (i32, i32, i32) {
    %c0_i32 = arith.constant 0 : i32
    %c0_i32_0 = arith.constant 0 : i32
    %c0_i32_1 = arith.constant 0 : i32
    return %c0_i32, %arg0, %c0_i32_0 : i32, i32, i32
  }
  func.func @transform_1(%arg0: i32) -> (i32, i32, i32) {
    %c1_i32 = arith.constant 1 : i32
    %c0_i32 = arith.constant 0 : i32
    %c0_i32_0 = arith.constant 0 : i32
    return %c1_i32, %arg0, %c0_i32 : i32, i32, i32
  }
  func.func @transform_2(%arg0: i32) -> (i32, i32) {
    %c0_i32 = arith.constant 0 : i32
    %c0_i32_0 = arith.constant 0 : i32
    return %arg0, %c0_i32 : i32, i32
  }
  func.func @transform_3(%arg0: i32) -> (i32, i32) {
    %c0_i32 = arith.constant 0 : i32
    %c0_i32_0 = arith.constant 0 : i32
    return %arg0, %c0_i32 : i32, i32
  }
  func.func @transform_4(%arg0: i32) -> (i32, i32) {
    %c0_i32 = arith.constant 0 : i32
    %c0_i32_0 = arith.constant 0 : i32
    %c0_i32_1 = arith.constant 0 : i32
    return %c0_i32, %c0_i32_0 : i32, i32
  }
  func.func @transform_5(%arg0: i32) -> (i32, i32) {
    %c0_i32 = arith.constant 0 : i32
    %c0_i32_0 = arith.constant 0 : i32
    %c0_i32_1 = arith.constant 0 : i32
    return %c0_i32, %c0_i32_0 : i32, i32
  }
  func.func @transform_6(%arg0: i32) -> (i32, i32) {
    %c0_i32 = arith.constant 0 : i32
    %c0_i32_0 = arith.constant 0 : i32
    %c0_i32_1 = arith.constant 0 : i32
    return %c0_i32, %c0_i32_0 : i32, i32
  }
  func.func @transform_7(%arg0: i32) -> (i32, i32) {
    %c0_i32 = arith.constant 0 : i32
    %c0_i32_0 = arith.constant 0 : i32
    %c0_i32_1 = arith.constant 0 : i32
    return %c0_i32, %c0_i32_0 : i32, i32
  }
  func.func @transform_8(%arg0: i32) -> (i32, i32) {
    %c0_i32 = arith.constant 0 : i32
    %c0_i32_0 = arith.constant 0 : i32
    %c0_i32_1 = arith.constant 0 : i32
    return %c0_i32, %c0_i32_0 : i32, i32
  }
  func.func @transform_9(%arg0: i32) -> (i32, i32) {
    %c0_i32 = arith.constant 0 : i32
    %c0_i32_0 = arith.constant 0 : i32
    return %arg0, %c0_i32 : i32, i32
  }
}

</mosaic_0001>

<sc_bundles>
// kernel: kernel.12.cloned.1.call-start
scs
__scs_entry_jumppad:
0x0: {  	(pc) =	sbr.rel $0x88, $3  }
0x1: {  	(tag) =	ssettag $0x0;
	lr =	simm.s32 $0x1  }
0x2: {  	[smem:$0x3F97] =	sst lr;
	_ =	strace $0xD0000000  }
0x3: {  	_ = 	snop  }
0x4: {  	_ = 	snop  }
0x5: {  	_ = 	snop  }
0x6: {  	_ = 	snop  }
0x7: {  	_ = 	snop  }
__scs_overlays_trampoline_lowered:
0x8: {  	[smem:$0x3FA6] =	sst s0  }
0x9: {  	[smem:$0x3FA7] =	sst s1  }
0xa: {  	[smem:$0x3FA8] =	sst s2  }
0xb: {  	[smem:$0x3FA9] =	sst s3  }
0xc: {  	[smem:$0x3FAA] =	sst s4  }
0xd: {  	[smem:$0x3FAB] =	sst s5  }
0xe: {  	[smem:$0x3FAC] =	sst s6  }
0xf: {  	[smem:$0x3FAD] =	sst s7  }
0x10: {  	[smem:$0x3FAE] =	sst s8  }
0x11: {  	[smem:$0x3FAF] =	sst s9;
	s0 =	simm.s32 @!p0 $0x0  }
0x12: {  	s1 =	sld [smem:$0x3F95];
	s0 =	simm.s32 @p0 $0x1  }
0x13: {  	[smem:$0x3FB0] =	sst s0;
	s0 =	simm.s32 @!p1 $0x0  }
0x14: {  	s2 =	sld [smem:$0x3F94];
	s0 =	simm.s32 @p1 $0x1  }
0x15: {  	[smem:$0x3FB1] =	sst s0;
	s0 =	simm.s32 @!p2 $0x0  }
0x16: {  	s3 =	sld [smem:$0x3FDB];
	s0 =	simm.s32 @p2 $0x1  }
0x17: {  	s4 =	simm.s32 $0x1BF5;
	[smem:$0x3FB3] =	sst s0  }
0x18: {  	s0 =	sld [smem:$0x3F96];
	_ =	swait.ge [sflag:s4], $0x0  }
0x19: {  	s7 =	sld [smem:$0x3F97]  }
0x1a: {  	s8 =	sadd.s32 $0xFFFFE003, lr  }
0x1b: {  	s9 =	sadd.s32 $0xFFFFFEF7, lr;
	s5 =	simm.s32 $0xFFFFFFFF;
	p2 =	slt.u32 s8, $0xFFFFF086  }
0x1c: {  	p1 =	slt.u32 s9, $0xF7A;
	s5 =	simm.s32 @!p2 $0x0  }
0x1d: {  	s5 =	simm.s32 @p1 $0x1;
	p0 =	seq.s32 s7, s2  }
0x1e: {  	s7 =	smul.u32 @!p0 $0xF7A, s2;
	p2 =	seq.s32 @!p0 s5, $0x0  }
0x1f: {  	s9 =	smul.u32 $0xF7A, s1;
	s8 =	simm.s32 @!p0 $0x1BF5;
	p2 =	por !p2, p0  }
0x20: {  	[sflag:s8] =	ssyncset.s32 @!p0 $0xFFFFF086;
	s6 =	sadd.s32 @!p0 s3, s7;
	s7 =	simm.s32 @!p0 $0x108  }
0x21: {  	s3 =	sadd.s32 s3, s9;
	s6 =	sadd.s32 @!p0 $0x88, s6;
	s7 =	simm.s32 @p2 $0x1082  }
0x22: {  	[simem:s7], [sflag:s8] =	dma.local @!p0 [hbm:s6], $0xF7A  }
0x23: {  	s9 =	sor.u32 $0xD0000000, s2;
	s6 =	simm.s32 $0x108;
	_ =	swait.ge @!p0 [sflag:s8], $0x0  }
0x24: {  	s3 =	sadd.s32 $0x88, s3;
	s6 =	simm.s32 @!p1 $0x1082;
	[sflag:s4] =	ssyncset.s32 $0xFFFFF086  }
0x25: {  	[simem:s6], [sflag:s4] =	dma.local [hbm:s3], $0xF7A  }
0x26: {  	[smem:$0x3F97] =	sst s1;
	(tag) =	ssettag s2;
	_ =	strace s9  }
0x27: {  	s1 =	sld [smem:$0x3FA7]  }
0x28: {  	s2 =	sld [smem:$0x3FA8]  }
0x29: {  	s4 =	sld [smem:$0x3FAA]  }
0x2a: {  	p0 =	seq.s32 s5, $0x0;
	s5 =	sld [smem:$0x3FAB]  }
0x2b: {  	s6 =	sld [smem:$0x3FAC]  }
0x2c: {  	s7 =	sld [smem:$0x3FAD]  }
0x2d: {  	s3 =	simm.s32 $0x108;
	s8 =	sld [smem:$0x3FAE]  }
0x2e: {  	s3 =	simm.s32 @!p0 $0x1082;
	s9 =	sld [smem:$0x3FAF]  }
0x2f: {  	lr =	sadd.s32 s0, s3;
	s0 =	sld [smem:$0x3FA6]  }
0x30: {  	s3 =	sld [smem:$0x3FA9]  }
0x31: {  	[smem:$0x3FB2] =	sst s10  }
0x32: {  	s10 =	sld [smem:$0x3FB0];
	_ =	sdelay $0x3  }
0x33: {  	p0 =	seq.s32 s10, $0x1;
	s10 =	sld [smem:$0x3FB2];
	_ =	sdelay $0x3  }
0x34: {  	[smem:$0x3FB2] =	sst s10  }
0x35: {  	s10 =	sld [smem:$0x3FB1];
	_ =	sdelay $0x3  }
0x36: {  	p1 =	seq.s32 s10, $0x1;
	s10 =	sld [smem:$0x3FB2];
	_ =	sdelay $0x3  }
0x37: {  	[smem:$0x3FB2] =	sst s10  }
0x38: {  	s10 =	sld [smem:$0x3FB3]  }
0x39: {  	_ = 	snop;
	(pc) =	sbr.ind lr, $3  }
0x3a: {  	_ = 	snop  }
0x3b: {  	_ = 	snop  }
0x3c: {  	p2 =	seq.s32 s10, $0x1;
	s10 =	sld [smem:$0x3FB2]  }
0x3d: {  	_ =	shalt  }
0x3e: {  	_ =	shalt  }
0x3f: {  	_ =	shalt  }
0x40: {  	_ =	shalt  }
0x41: {  	_ =	shalt  }
0x42: {  	_ =	shalt  }
0x43: {  	_ =	shalt  }
0x44: {  	_ =	shalt  }
0x45: {  	_ =	shalt  }
0x46: {  	_ =	shalt  }
0x47: {  	_ =	shalt  }
0x48: {  	_ =	shalt  }
0x49: {  	_ =	shalt  }
0x4a: {  	_ =	shalt  }
0x4b: {  	_ =	shalt  }
0x4c: {  	_ =	shalt  }
0x4d: {  	_ =	shalt  }
0x4e: {  	_ =	shalt  }
0x4f: {  	_ =	shalt  }
0x50: {  	_ =	shalt  }
0x51: {  	_ =	shalt  }
0x52: {  	_ =	shalt  }
0x53: {  	_ =	shalt  }
0x54: {  	_ =	shalt  }
0x55: {  	_ =	shalt  }
0x56: {  	_ =	shalt  }
0x57: {  	_ =	shalt  }
0x58: {  	_ =	shalt  }
0x59: {  	_ =	shalt  }
0x5a: {  	_ =	shalt  }
0x5b: {  	_ =	shalt  }
0x5c: {  	_ =	shalt  }
0x5d: {  	_ =	shalt  }
0x5e: {  	_ =	shalt  }
0x5f: {  	_ =	shalt  }
0x60: {  	_ =	shalt  }
0x61: {  	_ =	shalt  }
0x62: {  	_ =	shalt  }
0x63: {  	_ =	shalt  }
0x64: {  	_ =	shalt  }
0x65: {  	_ =	shalt  }
0x66: {  	_ =	shalt  }
0x67: {  	_ =	shalt  }
0x68: {  	_ =	shalt  }
0x69: {  	_ =	shalt  }
0x6a: {  	_ =	shalt  }
0x6b: {  	_ =	shalt  }
0x6c: {  	_ =	shalt  }
0x6d: {  	_ =	shalt  }
0x6e: {  	_ =	shalt  }
0x6f: {  	_ =	shalt  }
0x70: {  	_ =	shalt  }
0x71: {  	_ =	shalt  }
0x72: {  	_ =	shalt  }
0x73: {  	_ =	shalt  }
0x74: {  	_ =	shalt  }
0x75: {  	_ =	shalt  }
0x76: {  	_ =	shalt  }
0x77: {  	_ =	shalt  }
0x78: {  	_ =	shalt  }
0x79: {  	_ =	shalt  }
0x7a: {  	_ =	shalt  }
0x7b: {  	_ =	shalt  }
0x7c: {  	_ =	shalt  }
0x7d: {  	_ =	shalt  }
0x7e: {  	_ =	shalt  }
0x7f: {  	_ =	shalt  }
0x80: {  	_ =	shalt  }
0x81: {  	_ =	shalt  }
0x82: {  	_ =	shalt  }
0x83: {  	_ =	shalt  }
0x84: {  	_ =	shalt  }
0x85: {  	_ =	shalt  }
0x86: {  	_ =	shalt  }
0x87: {  	_ =	shalt  }
.Lfunc_end0:
.L_simem_size_0:
called_computation.1_lowered:
.L_overlay_start_0:
0x88: {  	s2 =	sld [smem:$0x3FD9]  }
0x89: {  	s3 =	sld [smem:$0x3FFE];
	_ =	sdelay $0x1  }
0x8a: {  	s1 =	srdreg.scid  }
0x8b: {  	s0 =	sand.u32 $0x1, s1  }
0x8c: {  	s17 =	sshll.u32 s0, $0xA;
	s2 =	sadd.s32 s3, s2  }
0x8d: {  	s2 =	sadd.s32 s2, s17  }
0x8e: {  	[smem:$0x3FBE] =	sst s2  }
0x8f: {  	_ = 	snop  }
0x90: {  	s2 =	sld [smem:$0x3FD0];
	(tm) =	ssettm $0x1  }
0x91: {  	s18 =	sld [smem:$0x3FFB];
	_ =	sdelay $0x3  }
0x92: {  	_ =	strace s18  }
0x93: {  	s3 =	sld [smem:$0x3FFC];
	_ =	sdelay $0x3  }
0x94: {  	_ =	strace s3  }
0x95: {  	s3 =	sld [smem:$0x3FFD];
	_ =	sdelay $0x3  }
0x96: {  	_ =	strace s3  }
0x97: {  	_ =	strace $0x8FFFFFFF  }
0x98: {  	s19 =	sld [smem:$0x3FDB];
	_ =	sdelay $0x1  }
0x99: {  	s4 =	simm.s32 $_scs_section_size  }
0x9a: {  	s5 =	simm.s32 $_size__tile_overlayer_lowered;
	s6 =	simm.s32 $_tile_overlayer_lowered  }
0x9b: {  	s22 =	simm.s32 $0x1BFF;
	s21 =	sshll.u32 s6, $0x1;
	s3 =	sadd.s32 s4, s19  }
0x9c: {  	s7 =	simm.s32 $0x0;
	s20 =	sshll.u32 s5, $0x1;
	s5 =	sadd.s32 s21, s3  }
0x9d: {  	[timem:s7], [sflag:s22] =	dma.local [hbm:s5], s20  }
0x9e: {  	_ =	swait.ge [sflag:s22], s20  }
0x9f: {  	s4 =	ssub.s32 $0x0, s20;
	[sflag:s22] =	ssyncset.done $0x0  }
0xa0: {  	[sflag:s22] =	ssyncadd.s32 s4;
	_ =	sdelay $0x1  }
0xa1: {  	s23 =	simm.s32 $0x1B8B  }
0xa2: {  	_ =	swait.ge [sflag:s23], $0x1  }
0xa3: {  	[sflag:s23] =	ssyncset.done $0x0  }
0xa4: {  	s25 =	simm.s32 $0x1B8E;
	s24 =	sld [smem:$0x3FFE];
	[sflag:s23] =	ssyncadd.s32 $0xFFFFFFFF  }
0xa5: {  	s26 =	simm.s32 $execute0_lowered;
	[smem:$0x3FD2] =	sst s25  }
0xa6: {  	s5 =	sshll.u32 s26, $0x1;
	_ =	strace $0x80000049;
	[dreg:$0x1] =	wrdreg $0xFFFFFFFF  }
0xa7: {  	s28 =	simm.s32 $_size_execute0_lowered;
	s3 =	sadd.s32 s3, s5;
	[dreg:$0x0] =	wrdreg $0x0  }
0xa8: {  	s5 =	sshll.u32 s28, $0x1;
	[dreg:$0x2] =	wrdreg s3  }
0xa9: {  	[dreg:$0x3] =	wrdreg s5  }
0xaa: {  	[dreg:$0x4] =	wrdreg $0xC0  }
0xab: {  	_ =	task [dreg:s7], $0x5FFFF  }
0xac: {  	[dreg:$0x1] =	wrdreg $0xFFFFFFFF  }
0xad: {  	[dreg:$0x0] =	wrdreg $0x60  }
0xae: {  	[dreg:$0x2] =	wrdreg s2  }
0xaf: {  	[dreg:$0x3] =	wrdreg s24  }
0xb0: {  	[dreg:$0x4] =	wrdreg $0xA8000  }
0xb1: {  	[dreg:$0x5] =	wrdreg $0x9  }
0xb2: {  	_ =	task.clear_ibuf [dreg:s7], $0x6FFFF;
	_ =	strace $0x90000049  }
0xb3: {  	s29 =	simm.s32 $0x9;
	_ =	strace $0x8000004B  }
0xb4: {  	_ =	swait.ge [sflag:s29], $0x1  }
0xb5: {  	[sflag:s29] =	ssyncadd.s32 $0xFFFFFFFF  }
0xb6: {  	_ =	strace $0x9000004B  }
0xb7: {  	_ =	sfence  }
0xb8: {  	s30 =	sld [smem:$0x0];
	_ =	sdelay $0x2  }
0xb9: {  	s31 =	sshll.u32 s1, $0xD;
	s1 =	sshrl.u32 s1, $0x2  }
0xba: {  	s3 =	sand.u32 $0x4000, s31;
	s1 =	sadd.s32 s1, s30  }
0xbb: {  	s0 =	sor.u32 s3, s0;
	s1 =	sshll.u32 s1, $0x11  }
0xbc: {  	s0 =	sor.u32 s1, s0  }
0xbd: {  	s0 =	sadd.s32 $0x8F2B, s0  }
0xbe: {  	[sflag:s0] =	ssyncadd.remote.s32 $0x1  }
0xbf: {  	_ =	sfence.sel $0xFFFF  }
0xc0: {  	[dreg:$0x0] =	wrdreg $0xFFFFFFFF;
	(pc) =	sbr.abs _section_cstart, $3  }
0xc1: {  	[dreg:$0x1] =	wrdreg $0xFFFFFFFF  }
0xc2: {  	_ =	task.clear_ibuf [dreg:s7], $0x2FFFF;
	_ =	strace $0x9FFFFFFF  }
0xc3: {  	(tm) =	ssettm $0x7FFFFFFF  }
tec
execute0_lowered:
.L_overlay_start_1:
0x0: {  	(tag) =	ssettag $0x1  }
0x1: {  	s1 =	rddreg [dreg:$0x0]  }
0x2: {  	s5 =	rddreg [dreg:$0x1]  }
0x3: {  	s2 =	rddreg [dreg:$0x2]  }
0x4: {  	s0 =	rddreg [dreg:$0x3];
	s4 =	simm.s32 $0x0;
	s6 =	srdreg.scid  }
0x5: {  	s3 =	stileid.u32;
	s15 =	simm.s32 $0x6800;
	s18 =	simm.s32 $0x1  }
0x6: {  	s19 =	simm.s32 $0x2;
	s20 =	simm.s32 $0x2700;
	s21 =	simm.s32 $0x2780  }
0x7: {  	[smem:$0x7FF] =	sst s4;
	s6 =	sand.u32 $0x1, s6;
	s22 =	smul.u32 $0x2780, s3  }
0x8: {  	s8 =	sadd.s32 $0xCE00, s5;
	s10 =	sadd.s32 $0x2E00, s5;
	s13 =	smul.u32 $0x4F000, s3  }
0x9: {  	s16 =	sshll.u32 s3, $0x6;
	_ =	strace $0x8000004A;
	s7 =	sshll.u32 s6, $0x4  }
0xa: {  	s9 =	smul.u32 $0x27800, s6;
	s6 =	ssub.s32 $0x2, s6;
	s16 =	sor.u32 $0x1C03, s16  }
0xb: {  	s7 =	sor.u32 s3, s7;
	s11 =	sadd.s32 s22, s5;
	s12 =	sshrl.u32 s6, $0x1  }
0xc: {  	s31 =	sshrl.u32 s13, $0x2;
	s13 =	simm.s32 $0x80;
	s7 =	smul.u32 $0x2800, s7  }
0xd: {  	s14 =	sadd.s32 s9, s5;
	s12 =	ssub.s32 s6, s12;
	s17 =	sadd.s32 s31, s2  }
0xe: {  	s23 =	sadd.s32 $0x3E600, s14;
	s14 =	simm.s32 $0x2800;
	s17 =	sshrl.u32 s17, $0x3  }
0xf: {  	s30 =	sshrl.u32 s7, $0x3;
	s7 =	sadd.s32 $0x16E00, s11;
	s11 =	simm.s32 $0x3  }
0x10: {  	s22 =	sadd.s32 s22, s23;
	s23 =	simm.s32 $0x0;
	s9 =	sadd.s32 $0x280, s30  }
0x11: {  	s5 =	sadd.s32 s8, s30;
	s6 =	sadd.s32 s10, s30;
	s8 =	sadd.s32 s8, s9  }
0x12: {  	s9 =	sadd.s32 s10, s9;
	s10 =	smax.u32 s12, $0x1;
	s12 =	simm.s32 $0x1400  }
.LBB2_1:
0x13: {  	[tilespmem:s4], [sflag:$0x3] =	stream.linear.gather [hbm4b:s5+s4], $0x1400, $0x38;
	[tilespmem:$0x1E400] =	vst v63  }
0x14: {  	_ =	swait.ge [sflag:s11], $0x1400  }
0x15: {  	[sflag:s11] =	ssyncset.done $0x0  }
0x16: {  	[sflag:s11] =	ssyncadd.s32 $0xFFFFEC00  }
0x17: {  	[tilespmem:s12], [sflag:$0x3] =	stream.linear.gather [hbm4b:s6+s4], $0x1400, $0x38;
	[tilespmem:$0x1E400] =	vst v63  }
0x18: {  	_ =	swait.ge [sflag:s11], $0x1400  }
0x19: {  	[sflag:s11] =	ssyncset.done $0x0  }
0x1a: {  	[sflag:s11] =	ssyncadd.s32 $0xFFFFEC00  }
0x1b: {  	[tilespmem:s14], [sflag:$0x1] =	stream.indirect.gather [hbm4b:s1+s13], $0x80, s4, s13, $0xb8;
	[tilespmem:$0x1E400] =	vst v63  }
0x1c: {  	_ = 	snop  }
0x1d: {  	[tilespmem:s15], [sflag:$0x2] =	stream.indirect.gather [hbm4b:s1+s13], $0x80, s13, s13, $0xb8;
	[tilespmem:$0x1E400] =	vst v63  }
0x1e: {  	[spmem:s17], [sflag:s16] =	dma.local [hbm:s7], $0x2780  }
0x1f: {  	_ =	swait.ge [sflag:s11], $0x2780  }
0x20: {  	[sflag:s11] =	ssyncset.done $0x0  }
0x21: {  	[sflag:s11] =	ssyncadd.s32 $0xFFFFD880  }
0x22: {  	[bflag:$0x0] =	sbarrier.arrive $0xFFFF  }
0x23: {  	_ =	swait.ge [sflag:s18], $0x4000  }
0x24: {  	[sflag:s18] =	ssyncset.done $0x0  }
0x25: {  	s24 =	simm.s32 $0x1400;
	[sflag:s18] =	ssyncadd.s32 $0xFFFFC000  }
0x26: {  	[spmem:s2] =	stream.indirect.scatter.add.f32 [tilespmem:s14], [sflag:$0x3], $0x80, s24, s13, $0xb8;
	[tilespmem:$0x1E400] =	vst v63  }
0x27: {  	_ =	swait.ge [sflag:s11], $0x4000  }
0x28: {  	[sflag:s11] =	ssyncset.done $0x0  }
0x29: {  	s30 =	simm.s32 $0x100;
	[sflag:s11] =	ssyncadd.s32 $0xFFFFC000  }
0x2a: {  	[tilespmem:s14], [sflag:$0x1] =	stream.indirect.gather [hbm4b:s1+s13], $0x80, s30, s13, $0xb8;
	[tilespmem:$0x1E400] =	vst v63  }
0x2b: {  	_ =	swait.ge [sflag:s19], $0x4000  }
0x2c: {  	[sflag:s19] =	ssyncset.done $0x0  }
0x2d: {  	s31 =	simm.s32 $0x1480;
	[sflag:s19] =	ssyncadd.s32 $0xFFFFC000  }
0x2e: {  	[spmem:s2] =	stream.indirect.scatter.add.f32 [tilespmem:s15], [sflag:$0x3], $0x80, s31, s13, $0xb8;
	[tilespmem:$0x1E400] =	vst v63  }
0x2f: {  	_ =	swait.ge [sflag:s11], $0x4000  }
0x30: {  	[sflag:s11] =	ssyncset.done $0x0  }
0x31: {  	s25 =	simm.s32 $0x180;
	s24 =	simm.s32 $0x400;
	[sflag:s11] =	ssyncadd.s32 $0xFFFFC000  }
.LBB2_2:
0x32: {  	[tilespmem:s15], [sflag:$0x2] =	stream.indirect.gather [hbm4b:s1+s13], $0x80, s25, s13, $0xb8;
	[tilespmem:$0x1E400] =	vst v63  }
0x33: {  	s25 =	smov.u32 s24  }
0x34: {  	p0 =	sne.s32 s24, $0x4800;
	s24 =	sadd.s32 $0x400, s24;
	_ =	swait.ge [sflag:s18], $0x4000  }
0x35: {  	s25 =	sshra.s32 s25, $0x2;
	[sflag:s18] =	ssyncset.done $0x0  }
0x36: {  	s26 =	sadd.s32 $0x1400, s25;
	[sflag:s18] =	ssyncadd.s32 $0xFFFFC000  }
0x37: {  	[spmem:s2] =	stream.indirect.scatter.add.f32 [tilespmem:s14], [sflag:$0x3], $0x80, s26, s13, $0xb8;
	[tilespmem:$0x1E400] =	vst v63  }
0x38: {  	_ =	swait.ge [sflag:s11], $0x4000  }
0x39: {  	[sflag:s11] =	ssyncset.done $0x0  }
0x3a: {  	s26 =	sadd.s32 $0x100, s25;
	[sflag:s11] =	ssyncadd.s32 $0xFFFFC000  }
0x3b: {  	[tilespmem:s14], [sflag:$0x1] =	stream.indirect.gather [hbm4b:s1+s13], $0x80, s26, s13, $0xb8;
	[tilespmem:$0x1E400] =	vst v63  }
0x3c: {  	_ =	swait.ge [sflag:s19], $0x4000  }
0x3d: {  	[sflag:s19] =	ssyncset.done $0x0  }
.Ltmp0:
0x3e: {  	s26 =	sadd.s32 $0x1480, s25;
	[sflag:s19] =	ssyncadd.s32 $0xFFFFC000;
	(pc) =	sbr.rel @p0 .LBB2_2-.Ltmp0, $4  }
0x3f: {  	[spmem:s2] =	stream.indirect.scatter.add.f32 [tilespmem:s15], [sflag:$0x3], $0x80, s26, s13, $0xb8;
	[tilespmem:$0x1E400] =	vst v63  }
0x40: {  	_ =	swait.ge [sflag:s11], $0x4000  }
0x41: {  	[sflag:s11] =	ssyncset.done $0x0  }
0x42: {  	s25 =	sadd.s32 $0x180, s25;
	[sflag:s11] =	ssyncadd.s32 $0xFFFFC000  }
0x43: {  	[tilespmem:s15], [sflag:$0x2] =	stream.indirect.gather [hbm4b:s1+s13], $0x80, s25, s13, $0xb8;
	[tilespmem:$0x1E400] =	vst v63  }
0x44: {  	_ =	swait.ge [sflag:s18], $0x4000  }
0x45: {  	[sflag:s18] =	ssyncset.done $0x0  }
0x46: {  	[sflag:s18] =	ssyncadd.s32 $0xFFFFC000  }
0x47: {  	[spmem:s2] =	stream.indirect.scatter.add.f32 [tilespmem:s14], [sflag:$0x3], $0x80, s20, s13, $0xb8;
	[tilespmem:$0x1E400] =	vst v63  }
0x48: {  	_ =	swait.ge [sflag:s11], $0x4000  }
0x49: {  	[sflag:s11] =	ssyncset.done $0x0  }
0x4a: {  	[sflag:s11] =	ssyncadd.s32 $0xFFFFC000  }
0x4b: {  	_ =	swait.ge [sflag:s19], $0x4000  }
0x4c: {  	[sflag:s19] =	ssyncset.done $0x0  }
0x4d: {  	[sflag:s19] =	ssyncadd.s32 $0xFFFFC000  }
0x4e: {  	[spmem:s2] =	stream.indirect.scatter.add.f32 [tilespmem:s15], [sflag:$0x3], $0x80, s21, s13, $0xb8;
	[tilespmem:$0x1E400] =	vst v63  }
0x4f: {  	_ =	swait.ge [sflag:s11], $0x4000  }
0x50: {  	[sflag:s11] =	ssyncset.done $0x0  }
0x51: {  	s24 =	simm.s32 $0x0;
	[sflag:s11] =	ssyncadd.s32 $0xFFFFC000  }
0x52: {  	[tilespmem:s24], [sflag:$0x3] =	stream.linear.gather [hbm4b:s8+s24], $0x1400, $0x38;
	[tilespmem:$0x1E400] =	vst v63  }
0x53: {  	_ =	swait.ge [sflag:s11], $0x1400  }
0x54: {  	[sflag:s11] =	ssyncset.done $0x0  }
0x55: {  	[sflag:s11] =	ssyncadd.s32 $0xFFFFEC00  }
0x56: {  	[tilespmem:s12], [sflag:$0x3] =	stream.linear.gather [hbm4b:s9+s24], $0x1400, $0x38;
	[tilespmem:$0x1E400] =	vst v63  }
0x57: {  	_ =	swait.ge [sflag:s11], $0x1400  }
0x58: {  	[sflag:s11] =	ssyncset.done $0x0  }
0x59: {  	[sflag:s11] =	ssyncadd.s32 $0xFFFFEC00  }
0x5a: {  	[tilespmem:s14], [sflag:$0x1] =	stream.indirect.gather [hbm4b:s1+s13], $0x80, s24, s13, $0xb8;
	[tilespmem:$0x1E400] =	vst v63  }
0x5b: {  	_ = 	snop  }
0x5c: {  	[tilespmem:s15], [sflag:$0x2] =	stream.indirect.gather [hbm4b:s1+s13], $0x80, s13, s13, $0xb8;
	[tilespmem:$0x1E400] =	vst v63  }
0x5d: {  	_ =	swait.ge [sflag:s18], $0x4000  }
0x5e: {  	[sflag:s18] =	ssyncset.done $0x0  }
0x5f: {  	s29 =	simm.s32 $0x1400;
	[sflag:s18] =	ssyncadd.s32 $0xFFFFC000  }
0x60: {  	[spmem:s2] =	stream.indirect.scatter.add.f32 [tilespmem:s14], [sflag:$0x3], $0x80, s29, s13, $0xb8;
	[tilespmem:$0x1E400] =	vst v63  }
0x61: {  	_ =	swait.ge [sflag:s11], $0x4000  }
0x62: {  	[sflag:s11] =	ssyncset.done $0x0  }
0x63: {  	s30 =	simm.s32 $0x100;
	[sflag:s11] =	ssyncadd.s32 $0xFFFFC000  }
0x64: {  	[tilespmem:s14], [sflag:$0x1] =	stream.indirect.gather [hbm4b:s1+s13], $0x80, s30, s13, $0xb8;
	[tilespmem:$0x1E400] =	vst v63  }
0x65: {  	_ =	swait.ge [sflag:s19], $0x4000  }
0x66: {  	[sflag:s19] =	ssyncset.done $0x0  }
0x67: {  	s31 =	simm.s32 $0x1480;
	[sflag:s19] =	ssyncadd.s32 $0xFFFFC000  }
0x68: {  	[spmem:s2] =	stream.indirect.scatter.add.f32 [tilespmem:s15], [sflag:$0x3], $0x80, s31, s13, $0xb8;
	[tilespmem:$0x1E400] =	vst v63  }
0x69: {  	_ =	swait.ge [sflag:s11], $0x4000  }
0x6a: {  	[sflag:s11] =	ssyncset.done $0x0  }
0x6b: {  	s25 =	simm.s32 $0x180;
	s24 =	simm.s32 $0x400;
	[sflag:s11] =	ssyncadd.s32 $0xFFFFC000  }
.LBB2_4:
0x6c: {  	[tilespmem:s15], [sflag:$0x2] =	stream.indirect.gather [hbm4b:s1+s13], $0x80, s25, s13, $0xb8;
	[tilespmem:$0x1E400] =	vst v63  }
0x6d: {  	s25 =	smov.u32 s24  }
0x6e: {  	p0 =	sne.s32 s24, $0x4800;
	s24 =	sadd.s32 $0x400, s24;
	_ =	swait.ge [sflag:s18], $0x4000  }
0x6f: {  	s25 =	sshra.s32 s25, $0x2;
	[sflag:s18] =	ssyncset.done $0x0  }
0x70: {  	s26 =	sadd.s32 $0x1400, s25;
	[sflag:s18] =	ssyncadd.s32 $0xFFFFC000  }
0x71: {  	[spmem:s2] =	stream.indirect.scatter.add.f32 [tilespmem:s14], [sflag:$0x3], $0x80, s26, s13, $0xb8;
	[tilespmem:$0x1E400] =	vst v63  }
0x72: {  	_ =	swait.ge [sflag:s11], $0x4000  }
0x73: {  	[sflag:s11] =	ssyncset.done $0x0  }
0x74: {  	s26 =	sadd.s32 $0x100, s25;
	[sflag:s11] =	ssyncadd.s32 $0xFFFFC000  }
0x75: {  	[tilespmem:s14], [sflag:$0x1] =	stream.indirect.gather [hbm4b:s1+s13], $0x80, s26, s13, $0xb8;
	[tilespmem:$0x1E400] =	vst v63  }
0x76: {  	_ =	swait.ge [sflag:s19], $0x4000  }
0x77: {  	[sflag:s19] =	ssyncset.done $0x0  }
.Ltmp1:
0x78: {  	s26 =	sadd.s32 $0x1480, s25;
	[sflag:s19] =	ssyncadd.s32 $0xFFFFC000;
	(pc) =	sbr.rel @p0 .LBB2_4-.Ltmp1, $4  }
0x79: {  	[spmem:s2] =	stream.indirect.scatter.add.f32 [tilespmem:s15], [sflag:$0x3], $0x80, s26, s13, $0xb8;
	[tilespmem:$0x1E400] =	vst v63  }
0x7a: {  	_ =	swait.ge [sflag:s11], $0x4000  }
0x7b: {  	[sflag:s11] =	ssyncset.done $0x0  }
0x7c: {  	s25 =	sadd.s32 $0x180, s25;
	[sflag:s11] =	ssyncadd.s32 $0xFFFFC000  }
0x7d: {  	[tilespmem:s15], [sflag:$0x2] =	stream.indirect.gather [hbm4b:s1+s13], $0x80, s25, s13, $0xb8;
	[tilespmem:$0x1E400] =	vst v63  }
0x7e: {  	_ =	swait.ge [sflag:s18], $0x4000  }
0x7f: {  	[sflag:s18] =	ssyncset.done $0x0  }
0x80: {  	[sflag:s18] =	ssyncadd.s32 $0xFFFFC000  }
0x81: {  	[spmem:s2] =	stream.indirect.scatter.add.f32 [tilespmem:s14], [sflag:$0x3], $0x80, s20, s13, $0xb8;
	[tilespmem:$0x1E400] =	vst v63  }
0x82: {  	_ =	swait.ge [sflag:s11], $0x4000  }
0x83: {  	[sflag:s11] =	ssyncset.done $0x0  }
0x84: {  	[sflag:s11] =	ssyncadd.s32 $0xFFFFC000  }
0x85: {  	_ =	swait.ge [sflag:s19], $0x4000  }
0x86: {  	[sflag:s19] =	ssyncset.done $0x0  }
0x87: {  	[sflag:s19] =	ssyncadd.s32 $0xFFFFC000  }
0x88: {  	[spmem:s2] =	stream.indirect.scatter.add.f32 [tilespmem:s15], [sflag:$0x3], $0x80, s21, s13, $0xb8;
	[tilespmem:$0x1E400] =	vst v63  }
0x89: {  	_ =	swait.ge [sflag:s11], $0x4000  }
0x8a: {  	s23 =	sadd.s32 $0x1, s23;
	[sflag:s11] =	ssyncset.done $0x0  }
0x8b: {  	p0 =	sne.s32 s23, s10;
	[sflag:s11] =	ssyncadd.s32 $0xFFFFC000  }
.Ltmp2:
0x8c: {  	[bflag:$0x0] =	sbarrier.arrive $0xFFFF;
	(pc) =	sbr.rel @p0 .LBB2_1-.Ltmp2, $4  }
0x8d: {  	[hbm:s22], [sflag:s16] =	dma.local [spmem:s17], $0x2780  }
0x8e: {  	_ =	swait.ge [sflag:s11], $0x2780  }
0x8f: {  	[sflag:s11] =	ssyncset.done $0x0  }
0x90: {  	[sflag:s11] =	ssyncadd.s32 $0xFFFFD880  }
0x91: {  	_ =	sfence.sel $0x180000  }
0x92: {  	[bflag:$0x0] =	sbarrier.arrive $0xFFFF  }
0x93: {  	p0 =	sne.s32 s3, $0x0;
	_ =	strace $0x9000004A  }
0x94: {  	s0 =	sadd.s32 @!p0 $0x100000, s0;
	[bflag:$0x2] =	sbarrier.arrive $0xFFFF  }
0x95: {  	[sflag:s0] =	ssyncadd.tile.s32 @!p0 $0x1;
	_ =	shalt  }
.Lfunc_end2:
_tile_overlayer_lowered:
.L_overlay_start_2:
0x96: {  	(tag) =	ssettag $0x2  }
0x97: {  	s0 =	rddreg [dreg:$0x0];
	s2 =	stileid.u32  }
0x98: {  	s1 =	rddreg [dreg:$0x1];
	p0 =	sne.s32 s2, $0x0  }
0x99: {  	s3 =	rddreg [dreg:$0x2];
	[bflag:$0x3] =	sbarrier.arrive $0xFFFF;
	s2 =	simm.s32 @!p0 $0x1C03  }
0x9a: {  	[timem:s3], [sflag:s2] =	dma.local @!p0 [hbm:s0], s1  }
0x9b: {  	s0 =	simm.s32 @!p0 $0x3  }
0x9c: {  	_ =	swait.ge @!p0 [sflag:s0], s1  }
0x9d: {  	s1 =	ssub.s32 @!p0 $0x0, s1;
	[sflag:s0] =	ssyncset.done @!p0 $0x0  }
0x9e: {  	[sflag:s0] =	ssyncadd.s32 @!p0 s1  }
0x9f: {  	[bflag:$0x3] =	sbarrier.arrive $0xFFFF  }
0xa0: {  	_ =	shalt  }

// kernel: kernel.15.cloned.1.call-start
scs
__scs_entry_jumppad:
0x0: {  	(pc) =	sbr.rel $0x88, $3  }
0x1: {  	(tag) =	ssettag $0x0;
	lr =	simm.s32 $0x1  }
0x2: {  	[smem:$0x3F97] =	sst lr;
	_ =	strace $0xD0000000  }
0x3: {  	_ = 	snop  }
0x4: {  	_ = 	snop  }
0x5: {  	_ = 	snop  }
0x6: {  	_ = 	snop  }
0x7: {  	_ = 	snop  }
__scs_overlays_trampoline_lowered:
0x8: {  	[smem:$0x3FA6] =	sst s0  }
0x9: {  	[smem:$0x3FA7] =	sst s1  }
0xa: {  	[smem:$0x3FA8] =	sst s2  }
0xb: {  	[smem:$0x3FA9] =	sst s3  }
0xc: {  	[smem:$0x3FAA] =	sst s4  }
0xd: {  	[smem:$0x3FAB] =	sst s5  }
0xe: {  	[smem:$0x3FAC] =	sst s6  }
0xf: {  	[smem:$0x3FAD] =	sst s7  }
0x10: {  	[smem:$0x3FAE] =	sst s8  }
0x11: {  	[smem:$0x3FAF] =	sst s9;
	s0 =	simm.s32 @!p0 $0x0  }
0x12: {  	s1 =	sld [smem:$0x3F95];
	s0 =	simm.s32 @p0 $0x1  }
0x13: {  	[smem:$0x3FB0] =	sst s0;
	s0 =	simm.s32 @!p1 $0x0  }
0x14: {  	s2 =	sld [smem:$0x3F94];
	s0 =	simm.s32 @p1 $0x1  }
0x15: {  	[smem:$0x3FB1] =	sst s0;
	s0 =	simm.s32 @!p2 $0x0  }
0x16: {  	s3 =	sld [smem:$0x3FDB];
	s0 =	simm.s32 @p2 $0x1  }
0x17: {  	s4 =	simm.s32 $0x1BF5;
	[smem:$0x3FB3] =	sst s0  }
0x18: {  	s0 =	sld [smem:$0x3F96];
	_ =	swait.ge [sflag:s4], $0x0  }
0x19: {  	s7 =	sld [smem:$0x3F97]  }
0x1a: {  	s8 =	sadd.s32 $0xFFFFE003, lr  }
0x1b: {  	s9 =	sadd.s32 $0xFFFFFEF7, lr;
	s5 =	simm.s32 $0xFFFFFFFF;
	p2 =	slt.u32 s8, $0xFFFFF086  }
0x1c: {  	p1 =	slt.u32 s9, $0xF7A;
	s5 =	simm.s32 @!p2 $0x0  }
0x1d: {  	s5 =	simm.s32 @p1 $0x1;
	p0 =	seq.s32 s7, s2  }
0x1e: {  	s7 =	smul.u32 @!p0 $0xF7A, s2;
	p2 =	seq.s32 @!p0 s5, $0x0  }
0x1f: {  	s9 =	smul.u32 $0xF7A, s1;
	s8 =	simm.s32 @!p0 $0x1BF5;
	p2 =	por !p2, p0  }
0x20: {  	[sflag:s8] =	ssyncset.s32 @!p0 $0xFFFFF086;
	s6 =	sadd.s32 @!p0 s3, s7;
	s7 =	simm.s32 @!p0 $0x108  }
0x21: {  	s3 =	sadd.s32 s3, s9;
	s6 =	sadd.s32 @!p0 $0x88, s6;
	s7 =	simm.s32 @p2 $0x1082  }
0x22: {  	[simem:s7], [sflag:s8] =	dma.local @!p0 [hbm:s6], $0xF7A  }
0x23: {  	s9 =	sor.u32 $0xD0000000, s2;
	s6 =	simm.s32 $0x108;
	_ =	swait.ge @!p0 [sflag:s8], $0x0  }
0x24: {  	s3 =	sadd.s32 $0x88, s3;
	s6 =	simm.s32 @!p1 $0x1082;
	[sflag:s4] =	ssyncset.s32 $0xFFFFF086  }
0x25: {  	[simem:s6], [sflag:s4] =	dma.local [hbm:s3], $0xF7A  }
0x26: {  	[smem:$0x3F97] =	sst s1;
	(tag) =	ssettag s2;
	_ =	strace s9  }
0x27: {  	s1 =	sld [smem:$0x3FA7]  }
0x28: {  	s2 =	sld [smem:$0x3FA8]  }
0x29: {  	s4 =	sld [smem:$0x3FAA]  }
0x2a: {  	p0 =	seq.s32 s5, $0x0;
	s5 =	sld [smem:$0x3FAB]  }
0x2b: {  	s6 =	sld [smem:$0x3FAC]  }
0x2c: {  	s7 =	sld [smem:$0x3FAD]  }
0x2d: {  	s3 =	simm.s32 $0x108;
	s8 =	sld [smem:$0x3FAE]  }
0x2e: {  	s3 =	simm.s32 @!p0 $0x1082;
	s9 =	sld [smem:$0x3FAF]  }
0x2f: {  	lr =	sadd.s32 s0, s3;
	s0 =	sld [smem:$0x3FA6]  }
0x30: {  	s3 =	sld [smem:$0x3FA9]  }
0x31: {  	[smem:$0x3FB2] =	sst s10  }
0x32: {  	s10 =	sld [smem:$0x3FB0];
	_ =	sdelay $0x3  }
0x33: {  	p0 =	seq.s32 s10, $0x1;
	s10 =	sld [smem:$0x3FB2];
	_ =	sdelay $0x3  }
0x34: {  	[smem:$0x3FB2] =	sst s10  }
0x35: {  	s10 =	sld [smem:$0x3FB1];
	_ =	sdelay $0x3  }
0x36: {  	p1 =	seq.s32 s10, $0x1;
	s10 =	sld [smem:$0x3FB2];
	_ =	sdelay $0x3  }
0x37: {  	[smem:$0x3FB2] =	sst s10  }
0x38: {  	s10 =	sld [smem:$0x3FB3]  }
0x39: {  	_ = 	snop;
	(pc) =	sbr.ind lr, $3  }
0x3a: {  	_ = 	snop  }
0x3b: {  	_ = 	snop  }
0x3c: {  	p2 =	seq.s32 s10, $0x1;
	s10 =	sld [smem:$0x3FB2]  }
0x3d: {  	_ =	shalt  }
0x3e: {  	_ =	shalt  }
0x3f: {  	_ =	shalt  }
0x40: {  	_ =	shalt  }
0x41: {  	_ =	shalt  }
0x42: {  	_ =	shalt  }
0x43: {  	_ =	shalt  }
0x44: {  	_ =	shalt  }
0x45: {  	_ =	shalt  }
0x46: {  	_ =	shalt  }
0x47: {  	_ =	shalt  }
0x48: {  	_ =	shalt  }
0x49: {  	_ =	shalt  }
0x4a: {  	_ =	shalt  }
0x4b: {  	_ =	shalt  }
0x4c: {  	_ =	shalt  }
0x4d: {  	_ =	shalt  }
0x4e: {  	_ =	shalt  }
0x4f: {  	_ =	shalt  }
0x50: {  	_ =	shalt  }
0x51: {  	_ =	shalt  }
0x52: {  	_ =	shalt  }
0x53: {  	_ =	shalt  }
0x54: {  	_ =	shalt  }
0x55: {  	_ =	shalt  }
0x56: {  	_ =	shalt  }
0x57: {  	_ =	shalt  }
0x58: {  	_ =	shalt  }
0x59: {  	_ =	shalt  }
0x5a: {  	_ =	shalt  }
0x5b: {  	_ =	shalt  }
0x5c: {  	_ =	shalt  }
0x5d: {  	_ =	shalt  }
0x5e: {  	_ =	shalt  }
0x5f: {  	_ =	shalt  }
0x60: {  	_ =	shalt  }
0x61: {  	_ =	shalt  }
0x62: {  	_ =	shalt  }
0x63: {  	_ =	shalt  }
0x64: {  	_ =	shalt  }
0x65: {  	_ =	shalt  }
0x66: {  	_ =	shalt  }
0x67: {  	_ =	shalt  }
0x68: {  	_ =	shalt  }
0x69: {  	_ =	shalt  }
0x6a: {  	_ =	shalt  }
0x6b: {  	_ =	shalt  }
0x6c: {  	_ =	shalt  }
0x6d: {  	_ =	shalt  }
0x6e: {  	_ =	shalt  }
0x6f: {  	_ =	shalt  }
0x70: {  	_ =	shalt  }
0x71: {  	_ =	shalt  }
0x72: {  	_ =	shalt  }
0x73: {  	_ =	shalt  }
0x74: {  	_ =	shalt  }
0x75: {  	_ =	shalt  }
0x76: {  	_ =	shalt  }
0x77: {  	_ =	shalt  }
0x78: {  	_ =	shalt  }
0x79: {  	_ =	shalt  }
0x7a: {  	_ =	shalt  }
0x7b: {  	_ =	shalt  }
0x7c: {  	_ =	shalt  }
0x7d: {  	_ =	shalt  }
0x7e: {  	_ =	shalt  }
0x7f: {  	_ =	shalt  }
0x80: {  	_ =	shalt  }
0x81: {  	_ =	shalt  }
0x82: {  	_ =	shalt  }
0x83: {  	_ =	shalt  }
0x84: {  	_ =	shalt  }
0x85: {  	_ =	shalt  }
0x86: {  	_ =	shalt  }
0x87: {  	_ =	shalt  }
.Lfunc_end0:
.L_simem_size_0:
called_computation.2_lowered:
.L_overlay_start_0:
0x88: {  	s2 =	sld [smem:$0x3FD9]  }
0x89: {  	s3 =	sld [smem:$0x3FFE];
	_ =	sdelay $0x1  }
0x8a: {  	s1 =	srdreg.scid  }
0x8b: {  	s0 =	sand.u32 $0x1, s1  }
0x8c: {  	s17 =	sshll.u32 s0, $0xA;
	s2 =	sadd.s32 s3, s2  }
0x8d: {  	s2 =	sadd.s32 s2, s17  }
0x8e: {  	[smem:$0x3FBE] =	sst s2  }
0x8f: {  	_ = 	snop  }
0x90: {  	s2 =	sld [smem:$0x3FD0];
	(tm) =	ssettm $0x1  }
0x91: {  	s18 =	sld [smem:$0x3FFB];
	_ =	sdelay $0x3  }
0x92: {  	_ =	strace s18  }
0x93: {  	s3 =	sld [smem:$0x3FFC];
	_ =	sdelay $0x3  }
0x94: {  	_ =	strace s3  }
0x95: {  	s3 =	sld [smem:$0x3FFD];
	_ =	sdelay $0x3  }
0x96: {  	_ =	strace s3  }
0x97: {  	_ =	strace $0x8FFFFFFF  }
0x98: {  	s19 =	sld [smem:$0x3FDB];
	_ =	sdelay $0x1  }
0x99: {  	s4 =	simm.s32 $_scs_section_size  }
0x9a: {  	s5 =	simm.s32 $_size__tile_overlayer_lowered;
	s6 =	simm.s32 $_tile_overlayer_lowered  }
0x9b: {  	s22 =	simm.s32 $0x1BFF;
	s21 =	sshll.u32 s6, $0x1;
	s3 =	sadd.s32 s4, s19  }
0x9c: {  	s7 =	simm.s32 $0x0;
	s20 =	sshll.u32 s5, $0x1;
	s5 =	sadd.s32 s21, s3  }
0x9d: {  	[timem:s7], [sflag:s22] =	dma.local [hbm:s5], s20  }
0x9e: {  	_ =	swait.ge [sflag:s22], s20  }
0x9f: {  	s4 =	ssub.s32 $0x0, s20;
	[sflag:s22] =	ssyncset.done $0x0  }
0xa0: {  	[sflag:s22] =	ssyncadd.s32 s4;
	_ =	sdelay $0x1  }
0xa1: {  	s23 =	simm.s32 $0x1B8B  }
0xa2: {  	_ =	swait.ge [sflag:s23], $0x1  }
0xa3: {  	[sflag:s23] =	ssyncset.done $0x0  }
0xa4: {  	s25 =	simm.s32 $0x1B8E;
	s24 =	sld [smem:$0x3FFE];
	[sflag:s23] =	ssyncadd.s32 $0xFFFFFFFF  }
0xa5: {  	s26 =	simm.s32 $execute0_lowered;
	[smem:$0x3FD2] =	sst s25  }
0xa6: {  	s5 =	sshll.u32 s26, $0x1;
	_ =	strace $0x8000004C;
	[dreg:$0x1] =	wrdreg $0xFFFFFFFF  }
0xa7: {  	s28 =	simm.s32 $_size_execute0_lowered;
	s3 =	sadd.s32 s3, s5;
	[dreg:$0x0] =	wrdreg $0x0  }
0xa8: {  	s5 =	sshll.u32 s28, $0x1;
	[dreg:$0x2] =	wrdreg s3  }
0xa9: {  	[dreg:$0x3] =	wrdreg s5  }
0xaa: {  	[dreg:$0x4] =	wrdreg $0xC0  }
0xab: {  	_ =	task [dreg:s7], $0x5FFFF  }
0xac: {  	[dreg:$0x1] =	wrdreg $0xFFFFFFFF  }
0xad: {  	[dreg:$0x0] =	wrdreg $0x60  }
0xae: {  	[dreg:$0x2] =	wrdreg s2  }
0xaf: {  	[dreg:$0x3] =	wrdreg s24  }
0xb0: {  	[dreg:$0x4] =	wrdreg $0xA8000  }
0xb1: {  	[dreg:$0x5] =	wrdreg $0x9  }
0xb2: {  	_ =	task.clear_ibuf [dreg:s7], $0x6FFFF;
	_ =	strace $0x9000004C  }
0xb3: {  	s29 =	simm.s32 $0x9;
	_ =	strace $0x8000004E  }
0xb4: {  	_ =	swait.ge [sflag:s29], $0x1  }
0xb5: {  	[sflag:s29] =	ssyncadd.s32 $0xFFFFFFFF  }
0xb6: {  	_ =	strace $0x9000004E  }
0xb7: {  	_ =	sfence  }
0xb8: {  	s30 =	sld [smem:$0x0];
	_ =	sdelay $0x2  }
0xb9: {  	s31 =	sshll.u32 s1, $0xD;
	s1 =	sshrl.u32 s1, $0x2  }
0xba: {  	s3 =	sand.u32 $0x4000, s31;
	s1 =	sadd.s32 s1, s30  }
0xbb: {  	s0 =	sor.u32 s3, s0;
	s1 =	sshll.u32 s1, $0x11  }
0xbc: {  	s0 =	sor.u32 s1, s0  }
0xbd: {  	s0 =	sadd.s32 $0x8F2B, s0  }
0xbe: {  	[sflag:s0] =	ssyncadd.remote.s32 $0x1  }
0xbf: {  	_ =	sfence.sel $0xFFFF  }
0xc0: {  	[dreg:$0x0] =	wrdreg $0xFFFFFFFF;
	(pc) =	sbr.abs _section_cstart, $3  }
0xc1: {  	[dreg:$0x1] =	wrdreg $0xFFFFFFFF  }
0xc2: {  	_ =	task.clear_ibuf [dreg:s7], $0x2FFFF;
	_ =	strace $0x9FFFFFFF  }
0xc3: {  	(tm) =	ssettm $0x7FFFFFFF  }
tec
execute0_lowered:
.L_overlay_start_1:
0x0: {  	(tag) =	ssettag $0x1  }
0x1: {  	s1 =	rddreg [dreg:$0x0]  }
0x2: {  	s5 =	rddreg [dreg:$0x1]  }
0x3: {  	s2 =	rddreg [dreg:$0x2]  }
0x4: {  	s0 =	rddreg [dreg:$0x3];
	s4 =	simm.s32 $0x0;
	s6 =	srdreg.scid  }
0x5: {  	s3 =	stileid.u32;
	s15 =	simm.s32 $0x6800;
	s18 =	simm.s32 $0x1  }
0x6: {  	s19 =	simm.s32 $0x2;
	s20 =	simm.s32 $0x2700;
	s21 =	simm.s32 $0x2780  }
0x7: {  	[smem:$0x7FF] =	sst s4;
	s6 =	sand.u32 $0x1, s6;
	s22 =	smul.u32 $0x2780, s3  }
0x8: {  	s8 =	sadd.s32 $0xCE00, s5;
	s10 =	sadd.s32 $0x2E00, s5;
	s13 =	smul.u32 $0x4F000, s3  }
0x9: {  	s16 =	sshll.u32 s3, $0x6;
	_ =	strace $0x8000004D;
	s7 =	sshll.u32 s6, $0x4  }
0xa: {  	s9 =	smul.u32 $0x27800, s6;
	s6 =	ssub.s32 $0x2, s6;
	s16 =	sor.u32 $0x1C03, s16  }
0xb: {  	s7 =	sor.u32 s3, s7;
	s11 =	sadd.s32 s22, s5;
	s12 =	sshrl.u32 s6, $0x1  }
0xc: {  	s31 =	sshrl.u32 s13, $0x2;
	s13 =	simm.s32 $0x80;
	s7 =	smul.u32 $0x2800, s7  }
0xd: {  	s14 =	sadd.s32 s9, s5;
	s12 =	ssub.s32 s6, s12;
	s17 =	sadd.s32 s31, s2  }
0xe: {  	s23 =	sadd.s32 $0x3E600, s14;
	s14 =	simm.s32 $0x2800;
	s17 =	sshrl.u32 s17, $0x3  }
0xf: {  	s30 =	sshrl.u32 s7, $0x3;
	s7 =	sadd.s32 $0x16E00, s11;
	s11 =	simm.s32 $0x3  }
0x10: {  	s22 =	sadd.s32 s22, s23;
	s23 =	simm.s32 $0x0;
	s9 =	sadd.s32 $0x280, s30  }
0x11: {  	s5 =	sadd.s32 s8, s30;
	s6 =	sadd.s32 s10, s30;
	s8 =	sadd.s32 s8, s9  }
0x12: {  	s9 =	sadd.s32 s10, s9;
	s10 =	smax.u32 s12, $0x1;
	s12 =	simm.s32 $0x1400  }
.LBB2_1:
0x13: {  	[tilespmem:s4], [sflag:$0x3] =	stream.linear.gather [hbm4b:s5+s4], $0x1400, $0x38;
	[tilespmem:$0x1E400] =	vst v63  }
0x14: {  	_ =	swait.ge [sflag:s11], $0x1400  }
0x15: {  	[sflag:s11] =	ssyncset.done $0x0  }
0x16: {  	[sflag:s11] =	ssyncadd.s32 $0xFFFFEC00  }
0x17: {  	[tilespmem:s12], [sflag:$0x3] =	stream.linear.gather [hbm4b:s6+s4], $0x1400, $0x38;
	[tilespmem:$0x1E400] =	vst v63  }
0x18: {  	_ =	swait.ge [sflag:s11], $0x1400  }
0x19: {  	[sflag:s11] =	ssyncset.done $0x0  }
0x1a: {  	[sflag:s11] =	ssyncadd.s32 $0xFFFFEC00  }
0x1b: {  	[tilespmem:s14], [sflag:$0x1] =	stream.indirect.gather [hbm4b:s1+s13], $0x80, s4, s13, $0xb8;
	[tilespmem:$0x1E400] =	vst v63  }
0x1c: {  	_ = 	snop  }
0x1d: {  	[tilespmem:s15], [sflag:$0x2] =	stream.indirect.gather [hbm4b:s1+s13], $0x80, s13, s13, $0xb8;
	[tilespmem:$0x1E400] =	vst v63  }
0x1e: {  	[spmem:s17], [sflag:s16] =	dma.local [hbm:s7], $0x2780  }
0x1f: {  	_ =	swait.ge [sflag:s11], $0x2780  }
0x20: {  	[sflag:s11] =	ssyncset.done $0x0  }
0x21: {  	[sflag:s11] =	ssyncadd.s32 $0xFFFFD880  }
0x22: {  	[bflag:$0x0] =	sbarrier.arrive $0xFFFF  }
0x23: {  	_ =	swait.ge [sflag:s18], $0x4000  }
0x24: {  	[sflag:s18] =	ssyncset.done $0x0  }
0x25: {  	s24 =	simm.s32 $0x1400;
	[sflag:s18] =	ssyncadd.s32 $0xFFFFC000  }
0x26: {  	[spmem:s2] =	stream.indirect.scatter.add.f32 [tilespmem:s14], [sflag:$0x3], $0x80, s24, s13, $0xb8;
	[tilespmem:$0x1E400] =	vst v63  }
0x27: {  	_ =	swait.ge [sflag:s11], $0x4000  }
0x28: {  	[sflag:s11] =	ssyncset.done $0x0  }
0x29: {  	s30 =	simm.s32 $0x100;
	[sflag:s11] =	ssyncadd.s32 $0xFFFFC000  }
0x2a: {  	[tilespmem:s14], [sflag:$0x1] =	stream.indirect.gather [hbm4b:s1+s13], $0x80, s30, s13, $0xb8;
	[tilespmem:$0x1E400] =	vst v63  }
0x2b: {  	_ =	swait.ge [sflag:s19], $0x4000  }
0x2c: {  	[sflag:s19] =	ssyncset.done $0x0  }
0x2d: {  	s31 =	simm.s32 $0x1480;
	[sflag:s19] =	ssyncadd.s32 $0xFFFFC000  }
0x2e: {  	[spmem:s2] =	stream.indirect.scatter.add.f32 [tilespmem:s15], [sflag:$0x3], $0x80, s31, s13, $0xb8;
	[tilespmem:$0x1E400] =	vst v63  }
0x2f: {  	_ =	swait.ge [sflag:s11], $0x4000  }
0x30: {  	[sflag:s11] =	ssyncset.done $0x0  }
0x31: {  	s25 =	simm.s32 $0x180;
	s24 =	simm.s32 $0x400;
	[sflag:s11] =	ssyncadd.s32 $0xFFFFC000  }
.LBB2_2:
0x32: {  	[tilespmem:s15], [sflag:$0x2] =	stream.indirect.gather [hbm4b:s1+s13], $0x80, s25, s13, $0xb8;
	[tilespmem:$0x1E400] =	vst v63  }
0x33: {  	s25 =	smov.u32 s24  }
0x34: {  	p0 =	sne.s32 s24, $0x4800;
	s24 =	sadd.s32 $0x400, s24;
	_ =	swait.ge [sflag:s18], $0x4000  }
0x35: {  	s25 =	sshra.s32 s25, $0x2;
	[sflag:s18] =	ssyncset.done $0x0  }
0x36: {  	s26 =	sadd.s32 $0x1400, s25;
	[sflag:s18] =	ssyncadd.s32 $0xFFFFC000  }
0x37: {  	[spmem:s2] =	stream.indirect.scatter.add.f32 [tilespmem:s14], [sflag:$0x3], $0x80, s26, s13, $0xb8;
	[tilespmem:$0x1E400] =	vst v63  }
0x38: {  	_ =	swait.ge [sflag:s11], $0x4000  }
0x39: {  	[sflag:s11] =	ssyncset.done $0x0  }
0x3a: {  	s26 =	sadd.s32 $0x100, s25;
	[sflag:s11] =	ssyncadd.s32 $0xFFFFC000  }
0x3b: {  	[tilespmem:s14], [sflag:$0x1] =	stream.indirect.gather [hbm4b:s1+s13], $0x80, s26, s13, $0xb8;
	[tilespmem:$0x1E400] =	vst v63  }
0x3c: {  	_ =	swait.ge [sflag:s19], $0x4000  }
0x3d: {  	[sflag:s19] =	ssyncset.done $0x0  }
.Ltmp0:
0x3e: {  	s26 =	sadd.s32 $0x1480, s25;
	[sflag:s19] =	ssyncadd.s32 $0xFFFFC000;
	(pc) =	sbr.rel @p0 .LBB2_2-.Ltmp0, $4  }
0x3f: {  	[spmem:s2] =	stream.indirect.scatter.add.f32 [tilespmem:s15], [sflag:$0x3], $0x80, s26, s13, $0xb8;
	[tilespmem:$0x1E400] =	vst v63  }
0x40: {  	_ =	swait.ge [sflag:s11], $0x4000  }
0x41: {  	[sflag:s11] =	ssyncset.done $0x0  }
0x42: {  	s25 =	sadd.s32 $0x180, s25;
	[sflag:s11] =	ssyncadd.s32 $0xFFFFC000  }
0x43: {  	[tilespmem:s15], [sflag:$0x2] =	stream.indirect.gather [hbm4b:s1+s13], $0x80, s25, s13, $0xb8;
	[tilespmem:$0x1E400] =	vst v63  }
0x44: {  	_ =	swait.ge [sflag:s18], $0x4000  }
0x45: {  	[sflag:s18] =	ssyncset.done $0x0  }
0x46: {  	[sflag:s18] =	ssyncadd.s32 $0xFFFFC000  }
0x47: {  	[spmem:s2] =	stream.indirect.scatter.add.f32 [tilespmem:s14], [sflag:$0x3], $0x80, s20, s13, $0xb8;
	[tilespmem:$0x1E400] =	vst v63  }
0x48: {  	_ =	swait.ge [sflag:s11], $0x4000  }
0x49: {  	[sflag:s11] =	ssyncset.done $0x0  }
0x4a: {  	[sflag:s11] =	ssyncadd.s32 $0xFFFFC000  }
0x4b: {  	_ =	swait.ge [sflag:s19], $0x4000  }
0x4c: {  	[sflag:s19] =	ssyncset.done $0x0  }
0x4d: {  	[sflag:s19] =	ssyncadd.s32 $0xFFFFC000  }
0x4e: {  	[spmem:s2] =	stream.indirect.scatter.add.f32 [tilespmem:s15], [sflag:$0x3], $0x80, s21, s13, $0xb8;
	[tilespmem:$0x1E400] =	vst v63  }
0x4f: {  	_ =	swait.ge [sflag:s11], $0x4000  }
0x50: {  	[sflag:s11] =	ssyncset.done $0x0  }
0x51: {  	s24 =	simm.s32 $0x0;
	[sflag:s11] =	ssyncadd.s32 $0xFFFFC000  }
0x52: {  	[tilespmem:s24], [sflag:$0x3] =	stream.linear.gather [hbm4b:s8+s24], $0x1400, $0x38;
	[tilespmem:$0x1E400] =	vst v63  }
0x53: {  	_ =	swait.ge [sflag:s11], $0x1400  }
0x54: {  	[sflag:s11] =	ssyncset.done $0x0  }
0x55: {  	[sflag:s11] =	ssyncadd.s32 $0xFFFFEC00  }
0x56: {  	[tilespmem:s12], [sflag:$0x3] =	stream.linear.gather [hbm4b:s9+s24], $0x1400, $0x38;
	[tilespmem:$0x1E400] =	vst v63  }
0x57: {  	_ =	swait.ge [sflag:s11], $0x1400  }
0x58: {  	[sflag:s11] =	ssyncset.done $0x0  }
0x59: {  	[sflag:s11] =	ssyncadd.s32 $0xFFFFEC00  }
0x5a: {  	[tilespmem:s14], [sflag:$0x1] =	stream.indirect.gather [hbm4b:s1+s13], $0x80, s24, s13, $0xb8;
	[tilespmem:$0x1E400] =	vst v63  }
0x5b: {  	_ = 	snop  }
0x5c: {  	[tilespmem:s15], [sflag:$0x2] =	stream.indirect.gather [hbm4b:s1+s13], $0x80, s13, s13, $0xb8;
	[tilespmem:$0x1E400] =	vst v63  }
0x5d: {  	_ =	swait.ge [sflag:s18], $0x4000  }
0x5e: {  	[sflag:s18] =	ssyncset.done $0x0  }
0x5f: {  	s29 =	simm.s32 $0x1400;
	[sflag:s18] =	ssyncadd.s32 $0xFFFFC000  }
0x60: {  	[spmem:s2] =	stream.indirect.scatter.add.f32 [tilespmem:s14], [sflag:$0x3], $0x80, s29, s13, $0xb8;
	[tilespmem:$0x1E400] =	vst v63  }
0x61: {  	_ =	swait.ge [sflag:s11], $0x4000  }
0x62: {  	[sflag:s11] =	ssyncset.done $0x0  }
0x63: {  	s30 =	simm.s32 $0x100;
	[sflag:s11] =	ssyncadd.s32 $0xFFFFC000  }
0x64: {  	[tilespmem:s14], [sflag:$0x1] =	stream.indirect.gather [hbm4b:s1+s13], $0x80, s30, s13, $0xb8;
	[tilespmem:$0x1E400] =	vst v63  }
0x65: {  	_ =	swait.ge [sflag:s19], $0x4000  }
0x66: {  	[sflag:s19] =	ssyncset.done $0x0  }
0x67: {  	s31 =	simm.s32 $0x1480;
	[sflag:s19] =	ssyncadd.s32 $0xFFFFC000  }
0x68: {  	[spmem:s2] =	stream.indirect.scatter.add.f32 [tilespmem:s15], [sflag:$0x3], $0x80, s31, s13, $0xb8;
	[tilespmem:$0x1E400] =	vst v63  }
0x69: {  	_ =	swait.ge [sflag:s11], $0x4000  }
0x6a: {  	[sflag:s11] =	ssyncset.done $0x0  }
0x6b: {  	s25 =	simm.s32 $0x180;
	s24 =	simm.s32 $0x400;
	[sflag:s11] =	ssyncadd.s32 $0xFFFFC000  }
.LBB2_4:
0x6c: {  	[tilespmem:s15], [sflag:$0x2] =	stream.indirect.gather [hbm4b:s1+s13], $0x80, s25, s13, $0xb8;
	[tilespmem:$0x1E400] =	vst v63  }
0x6d: {  	s25 =	smov.u32 s24  }
0x6e: {  	p0 =	sne.s32 s24, $0x4800;
	s24 =	sadd.s32 $0x400, s24;
	_ =	swait.ge [sflag:s18], $0x4000  }
0x6f: {  	s25 =	sshra.s32 s25, $0x2;
	[sflag:s18] =	ssyncset.done $0x0  }
0x70: {  	s26 =	sadd.s32 $0x1400, s25;
	[sflag:s18] =	ssyncadd.s32 $0xFFFFC000  }
0x71: {  	[spmem:s2] =	stream.indirect.scatter.add.f32 [tilespmem:s14], [sflag:$0x3], $0x80, s26, s13, $0xb8;
	[tilespmem:$0x1E400] =	vst v63  }
0x72: {  	_ =	swait.ge [sflag:s11], $0x4000  }
0x73: {  	[sflag:s11] =	ssyncset.done $0x0  }
0x74: {  	s26 =	sadd.s32 $0x100, s25;
	[sflag:s11] =	ssyncadd.s32 $0xFFFFC000  }
0x75: {  	[tilespmem:s14], [sflag:$0x1] =	stream.indirect.gather [hbm4b:s1+s13], $0x80, s26, s13, $0xb8;
	[tilespmem:$0x1E400] =	vst v63  }
0x76: {  	_ =	swait.ge [sflag:s19], $0x4000  }
0x77: {  	[sflag:s19] =	ssyncset.done $0x0  }
.Ltmp1:
0x78: {  	s26 =	sadd.s32 $0x1480, s25;
	[sflag:s19] =	ssyncadd.s32 $0xFFFFC000;
	(pc) =	sbr.rel @p0 .LBB2_4-.Ltmp1, $4  }
0x79: {  	[spmem:s2] =	stream.indirect.scatter.add.f32 [tilespmem:s15], [sflag:$0x3], $0x80, s26, s13, $0xb8;
	[tilespmem:$0x1E400] =	vst v63  }
0x7a: {  	_ =	swait.ge [sflag:s11], $0x4000  }
0x7b: {  	[sflag:s11] =	ssyncset.done $0x0  }
0x7c: {  	s25 =	sadd.s32 $0x180, s25;
	[sflag:s11] =	ssyncadd.s32 $0xFFFFC000  }
0x7d: {  	[tilespmem:s15], [sflag:$0x2] =	stream.indirect.gather [hbm4b:s1+s13], $0x80, s25, s13, $0xb8;
	[tilespmem:$0x1E400] =	vst v63  }
0x7e: {  	_ =	swait.ge [sflag:s18], $0x4000  }
0x7f: {  	[sflag:s18] =	ssyncset.done $0x0  }
0x80: {  	[sflag:s18] =	ssyncadd.s32 $0xFFFFC000  }
0x81: {  	[spmem:s2] =	stream.indirect.scatter.add.f32 [tilespmem:s14], [sflag:$0x3], $0x80, s20, s13, $0xb8;
	[tilespmem:$0x1E400] =	vst v63  }
0x82: {  	_ =	swait.ge [sflag:s11], $0x4000  }
0x83: {  	[sflag:s11] =	ssyncset.done $0x0  }
0x84: {  	[sflag:s11] =	ssyncadd.s32 $0xFFFFC000  }
0x85: {  	_ =	swait.ge [sflag:s19], $0x4000  }
0x86: {  	[sflag:s19] =	ssyncset.done $0x0  }
0x87: {  	[sflag:s19] =	ssyncadd.s32 $0xFFFFC000  }
0x88: {  	[spmem:s2] =	stream.indirect.scatter.add.f32 [tilespmem:s15], [sflag:$0x3], $0x80, s21, s13, $0xb8;
	[tilespmem:$0x1E400] =	vst v63  }
0x89: {  	_ =	swait.ge [sflag:s11], $0x4000  }
0x8a: {  	s23 =	sadd.s32 $0x1, s23;
	[sflag:s11] =	ssyncset.done $0x0  }
0x8b: {  	p0 =	sne.s32 s23, s10;
	[sflag:s11] =	ssyncadd.s32 $0xFFFFC000  }
.Ltmp2:
0x8c: {  	[bflag:$0x0] =	sbarrier.arrive $0xFFFF;
	(pc) =	sbr.rel @p0 .LBB2_1-.Ltmp2, $4  }
0x8d: {  	[hbm:s22], [sflag:s16] =	dma.local [spmem:s17], $0x2780  }
0x8e: {  	_ =	swait.ge [sflag:s11], $0x2780  }
0x8f: {  	[sflag:s11] =	ssyncset.done $0x0  }
0x90: {  	[sflag:s11] =	ssyncadd.s32 $0xFFFFD880  }
0x91: {  	_ =	sfence.sel $0x180000  }
0x92: {  	[bflag:$0x0] =	sbarrier.arrive $0xFFFF  }
0x93: {  	p0 =	sne.s32 s3, $0x0;
	_ =	strace $0x9000004D  }
0x94: {  	s0 =	sadd.s32 @!p0 $0x100000, s0;
	[bflag:$0x2] =	sbarrier.arrive $0xFFFF  }
0x95: {  	[sflag:s0] =	ssyncadd.tile.s32 @!p0 $0x1;
	_ =	shalt  }
.Lfunc_end2:
_tile_overlayer_lowered:
.L_overlay_start_2:
0x96: {  	(tag) =	ssettag $0x2  }
0x97: {  	s0 =	rddreg [dreg:$0x0];
	s2 =	stileid.u32  }
0x98: {  	s1 =	rddreg [dreg:$0x1];
	p0 =	sne.s32 s2, $0x0  }
0x99: {  	s3 =	rddreg [dreg:$0x2];
	[bflag:$0x3] =	sbarrier.arrive $0xFFFF;
	s2 =	simm.s32 @!p0 $0x1C03  }
0x9a: {  	[timem:s3], [sflag:s2] =	dma.local @!p0 [hbm:s0], s1  }
0x9b: {  	s0 =	simm.s32 @!p0 $0x3  }
0x9c: {  	_ =	swait.ge @!p0 [sflag:s0], s1  }
0x9d: {  	s1 =	ssub.s32 @!p0 $0x0, s1;
	[sflag:s0] =	ssyncset.done @!p0 $0x0  }
0x9e: {  	[sflag:s0] =	ssyncadd.s32 @!p0 s1  }
0x9f: {  	[bflag:$0x3] =	sbarrier.arrive $0xFFFF  }
0xa0: {  	_ =	shalt  }

// kernel: kernel.9.cloned.1.call-start
scs
__scs_entry_jumppad:
0x0: {  	(pc) =	sbr.rel $0x88, $3  }
0x1: {  	(tag) =	ssettag $0x0;
	lr =	simm.s32 $0x1  }
0x2: {  	[smem:$0x3F97] =	sst lr;
	_ =	strace $0xD0000000  }
0x3: {  	_ = 	snop  }
0x4: {  	_ = 	snop  }
0x5: {  	_ = 	snop  }
0x6: {  	_ = 	snop  }
0x7: {  	_ = 	snop  }
__scs_overlays_trampoline_lowered:
0x8: {  	[smem:$0x3FA6] =	sst s0  }
0x9: {  	[smem:$0x3FA7] =	sst s1  }
0xa: {  	[smem:$0x3FA8] =	sst s2  }
0xb: {  	[smem:$0x3FA9] =	sst s3  }
0xc: {  	[smem:$0x3FAA] =	sst s4  }
0xd: {  	[smem:$0x3FAB] =	sst s5  }
0xe: {  	[smem:$0x3FAC] =	sst s6  }
0xf: {  	[smem:$0x3FAD] =	sst s7  }
0x10: {  	[smem:$0x3FAE] =	sst s8  }
0x11: {  	[smem:$0x3FAF] =	sst s9;
	s0 =	simm.s32 @!p0 $0x0  }
0x12: {  	s1 =	sld [smem:$0x3F95];
	s0 =	simm.s32 @p0 $0x1  }
0x13: {  	[smem:$0x3FB0] =	sst s0;
	s0 =	simm.s32 @!p1 $0x0  }
0x14: {  	s2 =	sld [smem:$0x3F94];
	s0 =	simm.s32 @p1 $0x1  }
0x15: {  	[smem:$0x3FB1] =	sst s0;
	s0 =	simm.s32 @!p2 $0x0  }
0x16: {  	s3 =	sld [smem:$0x3FDB];
	s0 =	simm.s32 @p2 $0x1  }
0x17: {  	s4 =	simm.s32 $0x1BF5;
	[smem:$0x3FB3] =	sst s0  }
0x18: {  	s0 =	sld [smem:$0x3F96];
	_ =	swait.ge [sflag:s4], $0x0  }
0x19: {  	s7 =	sld [smem:$0x3F97]  }
0x1a: {  	s8 =	sadd.s32 $0xFFFFE003, lr  }
0x1b: {  	s9 =	sadd.s32 $0xFFFFFEF7, lr;
	s5 =	simm.s32 $0xFFFFFFFF;
	p2 =	slt.u32 s8, $0xFFFFF086  }
0x1c: {  	p1 =	slt.u32 s9, $0xF7A;
	s5 =	simm.s32 @!p2 $0x0  }
0x1d: {  	s5 =	simm.s32 @p1 $0x1;
	p0 =	seq.s32 s7, s2  }
0x1e: {  	s7 =	smul.u32 @!p0 $0xF7A, s2;
	p2 =	seq.s32 @!p0 s5, $0x0  }
0x1f: {  	s9 =	smul.u32 $0xF7A, s1;
	s8 =	simm.s32 @!p0 $0x1BF5;
	p2 =	por !p2, p0  }
0x20: {  	[sflag:s8] =	ssyncset.s32 @!p0 $0xFFFFF086;
	s6 =	sadd.s32 @!p0 s3, s7;
	s7 =	simm.s32 @!p0 $0x108  }
0x21: {  	s3 =	sadd.s32 s3, s9;
	s6 =	sadd.s32 @!p0 $0x88, s6;
	s7 =	simm.s32 @p2 $0x1082  }
0x22: {  	[simem:s7], [sflag:s8] =	dma.local @!p0 [hbm:s6], $0xF7A  }
0x23: {  	s9 =	sor.u32 $0xD0000000, s2;
	s6 =	simm.s32 $0x108;
	_ =	swait.ge @!p0 [sflag:s8], $0x0  }
0x24: {  	s3 =	sadd.s32 $0x88, s3;
	s6 =	simm.s32 @!p1 $0x1082;
	[sflag:s4] =	ssyncset.s32 $0xFFFFF086  }
0x25: {  	[simem:s6], [sflag:s4] =	dma.local [hbm:s3], $0xF7A  }
0x26: {  	[smem:$0x3F97] =	sst s1;
	(tag) =	ssettag s2;
	_ =	strace s9  }
0x27: {  	s1 =	sld [smem:$0x3FA7]  }
0x28: {  	s2 =	sld [smem:$0x3FA8]  }
0x29: {  	s4 =	sld [smem:$0x3FAA]  }
0x2a: {  	p0 =	seq.s32 s5, $0x0;
	s5 =	sld [smem:$0x3FAB]  }
0x2b: {  	s6 =	sld [smem:$0x3FAC]  }
0x2c: {  	s7 =	sld [smem:$0x3FAD]  }
0x2d: {  	s3 =	simm.s32 $0x108;
	s8 =	sld [smem:$0x3FAE]  }
0x2e: {  	s3 =	simm.s32 @!p0 $0x1082;
	s9 =	sld [smem:$0x3FAF]  }
0x2f: {  	lr =	sadd.s32 s0, s3;
	s0 =	sld [smem:$0x3FA6]  }
0x30: {  	s3 =	sld [smem:$0x3FA9]  }
0x31: {  	[smem:$0x3FB2] =	sst s10  }
0x32: {  	s10 =	sld [smem:$0x3FB0];
	_ =	sdelay $0x3  }
0x33: {  	p0 =	seq.s32 s10, $0x1;
	s10 =	sld [smem:$0x3FB2];
	_ =	sdelay $0x3  }
0x34: {  	[smem:$0x3FB2] =	sst s10  }
0x35: {  	s10 =	sld [smem:$0x3FB1];
	_ =	sdelay $0x3  }
0x36: {  	p1 =	seq.s32 s10, $0x1;
	s10 =	sld [smem:$0x3FB2];
	_ =	sdelay $0x3  }
0x37: {  	[smem:$0x3FB2] =	sst s10  }
0x38: {  	s10 =	sld [smem:$0x3FB3]  }
0x39: {  	_ = 	snop;
	(pc) =	sbr.ind lr, $3  }
0x3a: {  	_ = 	snop  }
0x3b: {  	_ = 	snop  }
0x3c: {  	p2 =	seq.s32 s10, $0x1;
	s10 =	sld [smem:$0x3FB2]  }
0x3d: {  	_ =	shalt  }
0x3e: {  	_ =	shalt  }
0x3f: {  	_ =	shalt  }
0x40: {  	_ =	shalt  }
0x41: {  	_ =	shalt  }
0x42: {  	_ =	shalt  }
0x43: {  	_ =	shalt  }
0x44: {  	_ =	shalt  }
0x45: {  	_ =	shalt  }
0x46: {  	_ =	shalt  }
0x47: {  	_ =	shalt  }
0x48: {  	_ =	shalt  }
0x49: {  	_ =	shalt  }
0x4a: {  	_ =	shalt  }
0x4b: {  	_ =	shalt  }
0x4c: {  	_ =	shalt  }
0x4d: {  	_ =	shalt  }
0x4e: {  	_ =	shalt  }
0x4f: {  	_ =	shalt  }
0x50: {  	_ =	shalt  }
0x51: {  	_ =	shalt  }
0x52: {  	_ =	shalt  }
0x53: {  	_ =	shalt  }
0x54: {  	_ =	shalt  }
0x55: {  	_ =	shalt  }
0x56: {  	_ =	shalt  }
0x57: {  	_ =	shalt  }
0x58: {  	_ =	shalt  }
0x59: {  	_ =	shalt  }
0x5a: {  	_ =	shalt  }
0x5b: {  	_ =	shalt  }
0x5c: {  	_ =	shalt  }
0x5d: {  	_ =	shalt  }
0x5e: {  	_ =	shalt  }
0x5f: {  	_ =	shalt  }
0x60: {  	_ =	shalt  }
0x61: {  	_ =	shalt  }
0x62: {  	_ =	shalt  }
0x63: {  	_ =	shalt  }
0x64: {  	_ =	shalt  }
0x65: {  	_ =	shalt  }
0x66: {  	_ =	shalt  }
0x67: {  	_ =	shalt  }
0x68: {  	_ =	shalt  }
0x69: {  	_ =	shalt  }
0x6a: {  	_ =	shalt  }
0x6b: {  	_ =	shalt  }
0x6c: {  	_ =	shalt  }
0x6d: {  	_ =	shalt  }
0x6e: {  	_ =	shalt  }
0x6f: {  	_ =	shalt  }
0x70: {  	_ =	shalt  }
0x71: {  	_ =	shalt  }
0x72: {  	_ =	shalt  }
0x73: {  	_ =	shalt  }
0x74: {  	_ =	shalt  }
0x75: {  	_ =	shalt  }
0x76: {  	_ =	shalt  }
0x77: {  	_ =	shalt  }
0x78: {  	_ =	shalt  }
0x79: {  	_ =	shalt  }
0x7a: {  	_ =	shalt  }
0x7b: {  	_ =	shalt  }
0x7c: {  	_ =	shalt  }
0x7d: {  	_ =	shalt  }
0x7e: {  	_ =	shalt  }
0x7f: {  	_ =	shalt  }
0x80: {  	_ =	shalt  }
0x81: {  	_ =	shalt  }
0x82: {  	_ =	shalt  }
0x83: {  	_ =	shalt  }
0x84: {  	_ =	shalt  }
0x85: {  	_ =	shalt  }
0x86: {  	_ =	shalt  }
0x87: {  	_ =	shalt  }
.Lfunc_end0:
.L_simem_size_0:
called_computation_lowered:
.L_overlay_start_0:
0x88: {  	s2 =	sld [smem:$0x3FD9]  }
0x89: {  	s3 =	sld [smem:$0x3FFE];
	_ =	sdelay $0x1  }
0x8a: {  	s1 =	srdreg.scid  }
0x8b: {  	s0 =	sand.u32 $0x1, s1  }
0x8c: {  	s17 =	sshll.u32 s0, $0xA;
	s2 =	sadd.s32 s3, s2  }
0x8d: {  	s2 =	sadd.s32 s2, s17  }
0x8e: {  	[smem:$0x3FBE] =	sst s2  }
0x8f: {  	_ = 	snop  }
0x90: {  	s2 =	sld [smem:$0x3FD0];
	(tm) =	ssettm $0x1  }
0x91: {  	s18 =	sld [smem:$0x3FFB];
	_ =	sdelay $0x3  }
0x92: {  	_ =	strace s18  }
0x93: {  	s3 =	sld [smem:$0x3FFC];
	_ =	sdelay $0x3  }
0x94: {  	_ =	strace s3  }
0x95: {  	s3 =	sld [smem:$0x3FFD];
	_ =	sdelay $0x3  }
0x96: {  	_ =	strace s3  }
0x97: {  	_ =	strace $0x8FFFFFFF  }
0x98: {  	s19 =	sld [smem:$0x3FDB];
	_ =	sdelay $0x1  }
0x99: {  	s4 =	simm.s32 $_scs_section_size  }
0x9a: {  	s5 =	simm.s32 $_size__tile_overlayer_lowered;
	s6 =	simm.s32 $_tile_overlayer_lowered  }
0x9b: {  	s22 =	simm.s32 $0x1BFF;
	s21 =	sshll.u32 s6, $0x1;
	s3 =	sadd.s32 s4, s19  }
0x9c: {  	s7 =	simm.s32 $0x0;
	s20 =	sshll.u32 s5, $0x1;
	s5 =	sadd.s32 s21, s3  }
0x9d: {  	[timem:s7], [sflag:s22] =	dma.local [hbm:s5], s20  }
0x9e: {  	_ =	swait.ge [sflag:s22], s20  }
0x9f: {  	s4 =	ssub.s32 $0x0, s20;
	[sflag:s22] =	ssyncset.done $0x0  }
0xa0: {  	[sflag:s22] =	ssyncadd.s32 s4;
	_ =	sdelay $0x1  }
0xa1: {  	s23 =	simm.s32 $0x1B8B  }
0xa2: {  	_ =	swait.ge [sflag:s23], $0x1  }
0xa3: {  	[sflag:s23] =	ssyncset.done $0x0  }
0xa4: {  	s25 =	simm.s32 $0x1B8E;
	s24 =	sld [smem:$0x3FFE];
	[sflag:s23] =	ssyncadd.s32 $0xFFFFFFFF  }
0xa5: {  	s26 =	simm.s32 $execute0_lowered;
	[smem:$0x3FD2] =	sst s25  }
0xa6: {  	s5 =	sshll.u32 s26, $0x1;
	_ =	strace $0x80000046;
	[dreg:$0x1] =	wrdreg $0xFFFFFFFF  }
0xa7: {  	s28 =	simm.s32 $_size_execute0_lowered;
	s3 =	sadd.s32 s3, s5;
	[dreg:$0x0] =	wrdreg $0x0  }
0xa8: {  	s5 =	sshll.u32 s28, $0x1;
	[dreg:$0x2] =	wrdreg s3  }
0xa9: {  	[dreg:$0x3] =	wrdreg s5  }
0xaa: {  	[dreg:$0x4] =	wrdreg $0xC0  }
0xab: {  	_ =	task [dreg:s7], $0x5FFFF  }
0xac: {  	[dreg:$0x1] =	wrdreg $0xFFFFFFFF  }
0xad: {  	[dreg:$0x0] =	wrdreg $0x60  }
0xae: {  	[dreg:$0x2] =	wrdreg s24  }
0xaf: {  	[dreg:$0x3] =	wrdreg s2  }
0xb0: {  	[dreg:$0x4] =	wrdreg $0x68000  }
0xb1: {  	[dreg:$0x5] =	wrdreg $0x9  }
0xb2: {  	_ =	task.clear_ibuf [dreg:s7], $0x6FFFF;
	_ =	strace $0x90000046  }
0xb3: {  	s29 =	simm.s32 $0x9;
	_ =	strace $0x80000048  }
0xb4: {  	_ =	swait.ge [sflag:s29], $0x1  }
0xb5: {  	[sflag:s29] =	ssyncadd.s32 $0xFFFFFFFF  }
0xb6: {  	_ =	strace $0x90000048  }
0xb7: {  	_ =	sfence  }
0xb8: {  	s30 =	sld [smem:$0x0];
	_ =	sdelay $0x2  }
0xb9: {  	s31 =	sshll.u32 s1, $0xD;
	s1 =	sshrl.u32 s1, $0x2  }
0xba: {  	s3 =	sand.u32 $0x4000, s31;
	s1 =	sadd.s32 s1, s30  }
0xbb: {  	s0 =	sor.u32 s3, s0;
	s1 =	sshll.u32 s1, $0x11  }
0xbc: {  	s0 =	sor.u32 s1, s0  }
0xbd: {  	s0 =	sadd.s32 $0x8F2B, s0  }
0xbe: {  	[sflag:s0] =	ssyncadd.remote.s32 $0x1  }
0xbf: {  	_ =	sfence.sel $0xFFFF  }
0xc0: {  	[dreg:$0x0] =	wrdreg $0xFFFFFFFF;
	(pc) =	sbr.abs _section_cstart, $3  }
0xc1: {  	[dreg:$0x1] =	wrdreg $0xFFFFFFFF  }
0xc2: {  	_ =	task.clear_ibuf [dreg:s7], $0x2FFFF;
	_ =	strace $0x9FFFFFFF  }
0xc3: {  	(tm) =	ssettm $0x7FFFFFFF  }
tec
execute0_lowered:
.L_overlay_start_1:
0x0: {  	(tag) =	ssettag $0x1  }
0x1: {  	s6 =	rddreg [dreg:$0x0]  }
0x2: {  	s2 =	rddreg [dreg:$0x1]  }
0x3: {  	s0 =	srdreg.scid;
	s3 =	rddreg [dreg:$0x2]  }
0x4: {  	s4 =	simm.s32 $0x0;
	s12 =	simm.s32 $0x80;
	s13 =	simm.s32 $0x100  }
0x5: {  	s14 =	simm.s32 $0x180;
	s15 =	simm.s32 $0x200;
	s16 =	simm.s32 $0x280  }
0x6: {  	s17 =	simm.s32 $0x300;
	s5 =	sand.u32 $0x1, s0;
	s0 =	stileid.u32  }
0x7: {  	s18 =	simm.s32 $0x380;
	s19 =	simm.s32 $0x1;
	s20 =	smul.u32 $0x2780, s0  }
0x8: {  	[smem:$0x7FF] =	sst s4;
	s1 =	sshll.u32 s5, $0x4;
	s8 =	smul.u32 $0x27800, s5  }
0x9: {  	s9 =	smul.u32 $0x4F000, s0;
	s5 =	ssub.s32 $0x2, s5;
	s1 =	sor.u32 s0, s1  }
0xa: {  	s31 =	sshll.u32 s0, $0x6;
	s30 =	sshrl.u32 s5, $0x1;
	s7 =	smul.u32 $0x500, s1  }
0xb: {  	s1 =	rddreg [dreg:$0x3];
	_ =	strace $0x80000047;
	s10 =	sadd.s32 s20, s6  }
0xc: {  	s8 =	sadd.s32 s8, s6;
	s9 =	sshrl.u32 s9, $0x2;
	s11 =	ssub.s32 s5, s30  }
0xd: {  	s9 =	sadd.s32 s9, s3;
	s5 =	sadd.s32 $0x16E00, s10;
	s21 =	sadd.s32 $0x3E600, s8  }
0xe: {  	s8 =	smax.u32 s11, $0x1;
	s10 =	simm.s32 $0x2;
	s11 =	simm.s32 $0x2800  }
0xf: {  	s7 =	sadd.s32 s7, s6;
	s6 =	sor.u32 $0x1C02, s31;
	s9 =	sshrl.u32 s9, $0x3  }
0x10: {  	s20 =	sadd.s32 s20, s21;
	s21 =	simm.s32 $0x0;
	s7 =	sadd.s32 $0x2E00, s7  }
.LBB2_1:
0x11: {  	[spmem:s9], [sflag:s6] =	dma.local [hbm:s5], $0x2780  }
0x12: {  	_ =	swait.ge [sflag:s10], $0x2780  }
0x13: {  	[sflag:s10] =	ssyncset.done $0x0  }
0x14: {  	[sflag:s10] =	ssyncadd.s32 $0xFFFFD880  }
0x15: {  	[tilespmem:s11], [sflag:$0x2] =	stream.linear.gather [hbm4b:s2+s4], $0x4000, $0x38;
	[tilespmem:$0x1A400] =	vst v63  }
0x16: {  	_ =	swait.ge [sflag:s10], $0x4000  }
0x17: {  	[sflag:s10] =	ssyncset.done $0x0  }
0x18: {  	[sflag:s10] =	ssyncadd.s32 $0xFFFFC000  }
0x19: {  	[tilespmem:s4], [sflag:$0x2] =	stream.linear.gather [hbm4b:s7+s4], $0x2800, $0x38;
	[tilespmem:$0x1A400] =	vst v63  }
0x1a: {  	_ =	swait.ge [sflag:s10], $0x2800  }
0x1b: {  	[sflag:s10] =	ssyncset.done $0x0  }
0x1c: {  	[sflag:s10] =	ssyncadd.s32 $0xFFFFD800  }
0x1d: {  	[bflag:$0x0] =	sbarrier.arrive $0xFFFF  }
0x1e: {  	[spmem:s3] =	stream.indirect.scatter.add.f32 [tilespmem:s11], [sflag:$0x1], $0x80, s4, s12, $0xb8;
	[tilespmem:$0x1A400] =	vst v63  }
0x1f: {  	_ = 	snop  }
0x20: {  	[spmem:s3] =	stream.indirect.scatter.add.f32 [tilespmem:s11], [sflag:$0x1], $0x80, s12, s12, $0xb8;
	[tilespmem:$0x1A400] =	vst v63  }
0x21: {  	_ = 	snop  }
0x22: {  	[spmem:s3] =	stream.indirect.scatter.add.f32 [tilespmem:s11], [sflag:$0x1], $0x80, s13, s12, $0xb8;
	[tilespmem:$0x1A400] =	vst v63  }
0x23: {  	_ = 	snop  }
0x24: {  	[spmem:s3] =	stream.indirect.scatter.add.f32 [tilespmem:s11], [sflag:$0x1], $0x80, s14, s12, $0xb8;
	[tilespmem:$0x1A400] =	vst v63  }
0x25: {  	_ = 	snop  }
0x26: {  	[spmem:s3] =	stream.indirect.scatter.add.f32 [tilespmem:s11], [sflag:$0x1], $0x80, s15, s12, $0xb8;
	[tilespmem:$0x1A400] =	vst v63  }
0x27: {  	_ = 	snop  }
0x28: {  	[spmem:s3] =	stream.indirect.scatter.add.f32 [tilespmem:s11], [sflag:$0x1], $0x80, s16, s12, $0xb8;
	[tilespmem:$0x1A400] =	vst v63  }
0x29: {  	_ = 	snop  }
0x2a: {  	[spmem:s3] =	stream.indirect.scatter.add.f32 [tilespmem:s11], [sflag:$0x1], $0x80, s17, s12, $0xb8;
	[tilespmem:$0x1A400] =	vst v63  }
0x2b: {  	_ = 	snop  }
0x2c: {  	[spmem:s3] =	stream.indirect.scatter.add.f32 [tilespmem:s11], [sflag:$0x1], $0x80, s18, s12, $0xb8;
	[tilespmem:$0x1A400] =	vst v63  }
0x2d: {  	s23 =	simm.s32 $0x400;
	s22 =	simm.s32 $0x1;
	_ =	swait.ge [sflag:s19], $0x4000  }
0x2e: {  	p0 =	por $0x0, $0x0;
	s24 =	simm.s32 $0x480;
	[sflag:s19] =	ssyncset.done $0x0  }
0x2f: {  	s25 =	simm.s32 @!p0 $0x80;
	s26 =	simm.s32 @!p0 $0x2800;
	[sflag:s19] =	ssyncadd.s32 $0xFFFFC000  }
.LBB2_2:
0x30: {  	[spmem:s3] =	stream.indirect.scatter.add.f32 @!p0 [tilespmem:s26], [sflag:$0x1], $0x80, s23, s25, $0xb8;
	[tilespmem:$0x1A400] =	vst v63  }
0x31: {  	s25 =	smov.u32 s22;
	s22 =	sadd.s32 $0x1, s22  }
0x32: {  	p1 =	sne.s32 s22, $0x50  }
.Ltmp0:
0x33: {  	(pc) =	sbr.rel @p1 .LBB2_2-.Ltmp0, $4  }
0x34: {  	s23 =	smov.u32 s24  }
0x35: {  	_ =	swait.ge [sflag:s19], $0x4000  }
0x36: {  	s24 =	sadd.s32 $0x80, s24;
	p0 =	sgt.u32 s25, $0x47;
	[sflag:s19] =	ssyncset.done $0x0  }
0x37: {  	s25 =	simm.s32 @!p0 $0x80;
	s26 =	simm.s32 @!p0 $0x2800;
	[sflag:s19] =	ssyncadd.s32 $0xFFFFC000  }
0x38: {  	[spmem:s3] =	stream.indirect.scatter.add.f32 @!p0 [tilespmem:s26], [sflag:$0x1], $0x80, s23, s25, $0xb8;
	[tilespmem:$0x1A400] =	vst v63  }
0x39: {  	s21 =	sadd.s32 $0x1, s21  }
0x3a: {  	p0 =	sne.s32 s21, s8  }
.Ltmp1:
0x3b: {  	[bflag:$0x0] =	sbarrier.arrive $0xFFFF;
	(pc) =	sbr.rel @p0 .LBB2_1-.Ltmp1, $4  }
0x3c: {  	[hbm:s20], [sflag:s6] =	dma.local [spmem:s9], $0x2780  }
0x3d: {  	_ =	swait.ge [sflag:s10], $0x2780  }
0x3e: {  	[sflag:s10] =	ssyncset.done $0x0  }
0x3f: {  	[sflag:s10] =	ssyncadd.s32 $0xFFFFD880  }
0x40: {  	_ =	sfence.sel $0x180000  }
0x41: {  	[bflag:$0x0] =	sbarrier.arrive $0xFFFF  }
0x42: {  	p0 =	sne.s32 s0, $0x0;
	_ =	strace $0x90000047  }
0x43: {  	s0 =	sadd.s32 @!p0 $0x100000, s1;
	[bflag:$0x2] =	sbarrier.arrive $0xFFFF  }
0x44: {  	[sflag:s0] =	ssyncadd.tile.s32 @!p0 $0x1;
	_ =	shalt  }
.Lfunc_end2:
_tile_overlayer_lowered:
.L_overlay_start_2:
0x45: {  	(tag) =	ssettag $0x2  }
0x46: {  	s0 =	rddreg [dreg:$0x0];
	s2 =	stileid.u32  }
0x47: {  	s1 =	rddreg [dreg:$0x1];
	p0 =	sne.s32 s2, $0x0  }
0x48: {  	s3 =	rddreg [dreg:$0x2];
	[bflag:$0x3] =	sbarrier.arrive $0xFFFF;
	s2 =	simm.s32 @!p0 $0x1C02  }
0x49: {  	[timem:s3], [sflag:s2] =	dma.local @!p0 [hbm:s0], s1  }
0x4a: {  	s0 =	simm.s32 @!p0 $0x2  }
0x4b: {  	_ =	swait.ge @!p0 [sflag:s0], s1  }
0x4c: {  	s1 =	ssub.s32 @!p0 $0x0, s1;
	[sflag:s0] =	ssyncset.done @!p0 $0x0  }
0x4d: {  	[sflag:s0] =	ssyncadd.s32 @!p0 s1  }
0x4e: {  	[bflag:$0x3] =	sbarrier.arrive $0xFFFF  }
0x4f: {  	_ =	shalt  }

</sc_bundles>
